<compile_context>
chip_gen: v7x
topology: tpu7x:2x2x1
jax: 0.10.2.dev20260603
libtpu: 0.0.44.dev20260713+nightly
codegen_flags: <defaults>
</compile_context>

<pallas_src>
import functools

import jax
import jax.numpy as jnp
from jax import lax
from jax.experimental import pallas as pl
from jax.experimental.pallas import tpu as pltpu
from jax.experimental.pallas import tpu_sc as plsc

_N = 8192
_K = 8192
_D = 256
_TN = 256
_TK = 1024
_COMMITMENT_COST = 0.25
_INT_MAX = 2**31 - 1


def _argmin_body(x_ref, rn_ref, emb_ref, idx_ref, loss_ref):
    x = x_ref[...]
    rn = rn_ref[...]
    best_val = None
    best_idx = None
    for kc in range(_K // _TK):
        e = emb_ref[pl.ds(kc * _TK, _TK), :]
        m = lax.dot_general(e, x, (((1,), (1,)), ((), ())),
                            preferred_element_type=jnp.float32)
        cn = jnp.sum(e * e, axis=1, keepdims=True)
        dist = (rn - 2.0 * m) + cn
        cmin = jnp.min(dist, axis=0, keepdims=True)
        ids = lax.broadcasted_iota(jnp.int32, (_TK, _TN), 0) + (kc * _TK)
        marg = jnp.min(jnp.where(dist == cmin, ids, _INT_MAX),
                       axis=0, keepdims=True)
        if kc == 0:
            best_val, best_idx = cmin, marg
        else:
            take = cmin < best_val
            best_idx = jnp.where(take, marg, best_idx)
            best_val = jnp.where(take, cmin, best_val)
    idx_ref[0] = best_idx
    partial = jnp.sum(best_val, axis=1, keepdims=True) * (
        _COMMITMENT_COST / (_N * _D))

    @pl.when(pl.program_id(0) == 0)
    def _init():
        loss_ref[...] = partial

    @pl.when(pl.program_id(0) > 0)
    def _acc():
        loss_ref[...] = loss_ref[...] + partial


def _argmin_call(flat, rn_row, embedding, interpret=False):
    return pl.pallas_call(
        _argmin_body,
        grid=(_N // _TN,),
        in_specs=[
            pl.BlockSpec((_TN, _D), lambda i: (i, 0)),
            pl.BlockSpec((1, _TN), lambda i: (0, i)),
            pl.BlockSpec((_K, _D), lambda i: (0, 0)),
        ],
        out_specs=[
            pl.BlockSpec((1, 1, _TN), lambda i: (i, 0, 0)),
            pl.BlockSpec((1, 1), lambda i: (0, 0)),
        ],
        out_shape=[
            jax.ShapeDtypeStruct((_N // _TN, 1, _TN), jnp.int32),
            jax.ShapeDtypeStruct((1, 1), jnp.float32),
        ],
        interpret=interpret,
    )(flat, rn_row, embedding)


def _make_sc_gather_hist():
    info = plsc.get_sparse_core_info()
    NC, NS = info.num_cores, info.num_subcores
    NW = NC * NS
    BPW = _N // NW
    CH = 128
    NCH = BPW // CH
    mesh = plsc.VectorSubcoreMesh(core_axis_name="c", subcore_axis_name="s")

    @functools.partial(
        pl.kernel,
        out_type=[
            jax.ShapeDtypeStruct((_N, _D), jnp.float32),
            jax.ShapeDtypeStruct((NC, _K), jnp.float32),
        ],
        mesh=mesh,
        scratch_types=[
            pltpu.VMEM((NCH, CH), jnp.int32),
            pltpu.VMEM((BPW, _D), jnp.float32),
            pltpu.VMEM((CH,), jnp.float32),
            pltpu.VMEM((_K // NS,), jnp.float32),
            pltpu.VMEM_SHARED((_K,), jnp.float32),
            pltpu.SemaphoreType.DMA,
        ],
    )
    def sc_kernel(idx_hbm, emb_hbm, quant_hbm, counts_hbm,
                  idx_v, rows_v, ones_v, zeros_v, hist_sh, sem):
        cid = lax.axis_index("c")
        sid = lax.axis_index("s")
        wid = sid * NC + cid
        base = wid * BPW

        pltpu.sync_copy(idx_hbm.at[pl.ds(wid * NCH, NCH)], idx_v)

        def _fill_ones(i, _):
            ones_v[pl.ds(i * 16, 16)] = jnp.ones((16,), jnp.float32)
            return 0
        lax.fori_loop(0, CH // 16, _fill_ones, 0)

        def _fill_zeros(i, _):
            zeros_v[pl.ds(i * 16, 16)] = jnp.zeros((16,), jnp.float32)
            return 0
        lax.fori_loop(0, (_K // NS) // 16, _fill_zeros, 0)

        pltpu.sync_copy(zeros_v, hist_sh.at[pl.ds(sid * (_K // NS), _K // NS)])
        plsc.subcore_barrier()

        for ch in range(NCH):
            pltpu.async_copy(emb_hbm.at[idx_v.at[ch]],
                             rows_v.at[pl.ds(ch * CH, CH)], sem).wait()
            pltpu.sync_copy(ones_v, hist_sh.at[idx_v.at[ch]], add=True)

        pltpu.sync_copy(rows_v, quant_hbm.at[pl.ds(base, BPW)])

        plsc.subcore_barrier()

        @pl.when(sid == 0)
        def _():
            pltpu.sync_copy(hist_sh, counts_hbm.at[cid])

    return sc_kernel, NC, NCH, CH


def _finalize_body(parts_ref, counts_ref, perp_ref):
    p = parts_ref[...]
    c = jnp.sum(p, axis=0, keepdims=True)
    counts_ref[...] = c
    probs = c * (1.0 / _N)
    ent = jnp.sum(probs * jnp.log(probs + 1e-10), axis=1, keepdims=True)
    perp_ref[...] = jnp.exp(-ent)


def _finalize_call(parts, interpret=False):
    nc = parts.shape[0]
    return pl.pallas_call(
        _finalize_body,
        in_specs=[pl.BlockSpec((nc, _K), lambda: (0, 0))],
        out_specs=[
            pl.BlockSpec((1, _K), lambda: (0, 0)),
            pl.BlockSpec((1, 1), lambda: (0, 0)),
        ],
        out_shape=[
            jax.ShapeDtypeStruct((1, _K), jnp.float32),
            jax.ShapeDtypeStruct((1, 1), jnp.float32),
        ],
        interpret=interpret,
    )(parts)


def kernel(inputs, embedding):
    flat = inputs.reshape(_N, _D)
    rn_row = jnp.sum(flat * flat, axis=1, keepdims=True).reshape(1, _N)
    idx3, loss = _argmin_call(flat, rn_row, embedding)
    idx = idx3.reshape(_N)

    sc_kernel, nc, nch, ch = _make_sc_gather_hist()
    idx_chunked = idx.reshape(_N // ch, ch)
    quantized, parts = sc_kernel(idx_chunked, embedding)

    counts, perp = _finalize_call(parts)

    quantized_st = quantized.reshape(inputs.shape)
    return (loss.reshape(()), quantized_st, counts.reshape(_K),
            embedding, perp.reshape(()))

# --- scband reference (transcript-rebuilt; emitter-appended) ---
"""Pipeline reference for scband-vector-quantizer-10024453669335 (READ-ONLY COPY).

The authoritative reference and input builder live on the scoring server;
editing this copy changes nothing except your own understanding.
"""

import jax, jax.numpy as jnp
import numpy as np

NUM_EMBEDDINGS = 8192
EMBEDDING_DIM = 256
COMMITMENT_COST = 0.25

def setup_inputs(seed: int = 0):
    key = jax.random.key(seed)
    k1, k2 = jax.random.split(key)
    inputs = jax.random.normal(k1, (8, 1024, 256), dtype=jnp.float32)
    embedding = jax.random.normal(k2, (NUM_EMBEDDINGS, EMBEDDING_DIM), dtype=jnp.float32) * 0.02
    return {"inputs": inputs, "embedding": embedding}

def reference(inputs, embedding):
    # Inner quantizer (EMA-style VQ): flatten -> nearest codebook entry
    flat = inputs.reshape(-1, EMBEDDING_DIM)
    distances = (jnp.sum(flat * flat, axis=1, keepdims=True)
                 - 2.0 * (flat @ embedding.T)
                 + jnp.sum(embedding * embedding, axis=1)[None, :])
    encoding_indices = jnp.argmin(distances, axis=1)
    encodings = jax.nn.one_hot(encoding_indices, NUM_EMBEDDINGS, dtype=jnp.float32)
    encodings_sum = jnp.sum(encodings, axis=0)
    quantized = jnp.take(embedding, encoding_indices, axis=0).reshape(inputs.shape)
    loss = COMMITMENT_COST * jnp.mean((jax.lax.stop_gradient(quantized) - inputs) ** 2)
    # straight-through estimator
    quantized_st = inputs + jax.lax.stop_gradient(quantized - inputs)
    # Wrapper: perplexity via histogram over codes (torch.histc equivalent)
    counts = jnp.bincount(encoding_indices, length=NUM_EMBEDDINGS).astype(jnp.float32)
    avg_probs = counts / encoding_indices.size
    perplexity = jnp.exp(-jnp.sum(avg_probs * jnp.log(avg_probs + 1e-10)))
    return (loss, quantized_st, encodings_sum, embedding, perplexity)

if __name__ == "__main__":
    import jax
    _d = setup_inputs()
    print(jax.jit(kernel)(*tuple(_d.values())))

</pallas_src>

<mosaic_0001>
#map = affine_map<(d0, d1) -> (0, 0)>
module attributes {stable_mosaic.version = 14 : i64} {
  func.func @sc_kernel(%arg0: i32, %arg1: i32, %arg2: memref<64x128xi32, #tpu.memory_space<hbm>>, %arg3: memref<8192x256xf32, #tpu.memory_space<hbm>>, %arg4: memref<8192x256xf32, #tpu.memory_space<hbm>>, %arg5: memref<2x8192xf32, #tpu.memory_space<hbm>>, %arg6: memref<2x128xi32, #tpu.memory_space<vmem>>, %arg7: memref<256x256xf32, #tpu.memory_space<vmem>>, %arg8: memref<128xf32, #tpu.memory_space<vmem>>, %arg9: memref<512xf32, #tpu.memory_space<vmem>>, %arg10: memref<8192xf32, #tpu.memory_space<vmem_shared>>, %arg11: memref<!tpu.dma_semaphore, #tpu.memory_space<semaphore_mem>>) attributes {dimension_semantics = [#tpu.dimension_semantics<core_parallel>, #tpu.dimension_semantics<subcore_parallel>], iteration_bounds = array<i64: 2, 16>, scalar_prefetch = 0 : i64, scratch_operands = 6 : i64, tpu.core_type = #tpu.core_type<sc_vector_subcore>, window_params = [{transform_indices = #map}, {transform_indices = #map}, {transform_indices = #map}, {transform_indices = #map}]} {
    %mul3A = arith.constant 2 : i32
    %mul3A_0 = arith.muli %arg1, %mul3A : i32
    %add3A = arith.addi %mul3A_0, %arg0 : i32
    %mul3A_1 = arith.constant 256 : i32
    %mul3A_2 = arith.muli %add3A, %mul3A_1 : i32
    %mul3A_3 = arith.constant 2 : i32
    %mul3A_4 = arith.muli %add3A, %mul3A_3 : i32
    "tpu.region"() ({
      %run_scoped3A_62 = tpu.sem_alloc : memref<!tpu.dma_semaphore, #tpu.memory_space<semaphore_mem>>
      %dma_start3A_63 = arith.constant 0 : i32
      %dma_start3A_64 = tpu.memref_slice %arg2[%mul3A_4, %dma_start3A_63] : memref<64x128xi32, #tpu.memory_space<hbm>> -> memref<2x128xi32, #tpu.memory_space<hbm>>
      %dma_start3A_65 = arith.constant 0 : i32
      %dma_start3A_66 = tpu.memref_slice %arg2[%mul3A_4, %dma_start3A_65] : memref<64x128xi32, #tpu.memory_space<hbm>> -> memref<2x128xi32, #tpu.memory_space<hbm>>
      tpu.enqueue_dma source(%dma_start3A_66 : memref<2x128xi32, #tpu.memory_space<hbm>>) target(%arg6 : memref<2x128xi32, #tpu.memory_space<vmem>>) target_semaphore(%run_scoped3A_62 : memref<!tpu.dma_semaphore, #tpu.memory_space<semaphore_mem>>)
      %dma_wait3A_67 = arith.constant 0 : i32
      %dma_wait3A_68 = tpu.memref_slice %arg2[%mul3A_4, %dma_wait3A_67] : memref<64x128xi32, #tpu.memory_space<hbm>> -> memref<2x128xi32, #tpu.memory_space<hbm>>
      %dma_wait3A_69 = arith.constant 0 : i32
      %dma_wait3A_70 = tpu.memref_slice %arg2[%mul3A_4, %dma_wait3A_69] : memref<64x128xi32, #tpu.memory_space<hbm>> -> memref<2x128xi32, #tpu.memory_space<hbm>>
      tpu.wait_dma2 semaphore(%run_scoped3A_62 : memref<!tpu.dma_semaphore, #tpu.memory_space<semaphore_mem>>) src(%dma_wait3A_70 : memref<2x128xi32, #tpu.memory_space<hbm>>) dst(%arg6 : memref<2x128xi32, #tpu.memory_space<vmem>>)
      tpu.yield
    }) : () -> ()
    %scan3A = arith.constant 0 : i32
    %scan3A_5 = arith.constant 0 : i32
    %scan3A_6 = arith.constant 8 : i32
    %scan3A_7 = arith.addi %scan3A_5, %scan3A_6 : i32
    %scan3A_8 = arith.constant 1 : i32
    %scan3A_9 = scf.for %scan3A_62 = %scan3A_5 to %scan3A_7 step %scan3A_8 iter_args(%scan3A_63 = %scan3A) -> (i32)  : i32 {
      %broadcast_in_dim3A = arith.constant 1.000000e+00 : f32
      %broadcast_in_dim3A_64 = vector.broadcast %broadcast_in_dim3A : f32 to vector<16xf32>
      %mul3A_65 = arith.constant 16 : i32
      %mul3A_66 = arith.muli %scan3A_62, %mul3A_65 : i32
      %swap3A = arith.index_cast %mul3A_66 : i32 to index
      %swap3A_67 = tpu.vector_load %arg8[%swap3A] {strides = array<i32>} : memref<128xf32, #tpu.memory_space<vmem>>, vector<16xf32>,
      %swap3A_68 = vector.shape_cast %swap3A_67 : vector<16xf32> to vector<16xf32>
      %swap3A_69 = vector.shape_cast %broadcast_in_dim3A_64 : vector<16xf32> to vector<16xf32>
      tpu.vector_store %arg8[%swap3A], %swap3A_69 {strides = array<i32>} : memref<128xf32, #tpu.memory_space<vmem>>, vector<16xf32>,
      %scan3A_70 = arith.constant 0 : i32
      scf.yield %scan3A_70 : i32
    }
    %scan3A_10 = arith.constant 8 : i32
    %scan3A_11 = arith.constant 0 : i32
    %scan3A_12 = arith.constant 0 : i32
    %scan3A_13 = arith.constant 32 : i32
    %scan3A_14 = arith.addi %scan3A_12, %scan3A_13 : i32
    %scan3A_15 = arith.constant 1 : i32
    %scan3A_16 = scf.for %scan3A_62 = %scan3A_12 to %scan3A_14 step %scan3A_15 iter_args(%scan3A_63 = %scan3A_11) -> (i32)  : i32 {
      %broadcast_in_dim3A = arith.constant 0.000000e+00 : f32
      %broadcast_in_dim3A_64 = vector.broadcast %broadcast_in_dim3A : f32 to vector<16xf32>
      %mul3A_65 = arith.constant 16 : i32
      %mul3A_66 = arith.muli %scan3A_62, %mul3A_65 : i32
      %swap3A = arith.index_cast %mul3A_66 : i32 to index
      %swap3A_67 = tpu.vector_load %arg9[%swap3A] {strides = array<i32>} : memref<512xf32, #tpu.memory_space<vmem>>, vector<16xf32>,
      %swap3A_68 = vector.shape_cast %swap3A_67 : vector<16xf32> to vector<16xf32>
      %swap3A_69 = vector.shape_cast %broadcast_in_dim3A_64 : vector<16xf32> to vector<16xf32>
      tpu.vector_store %arg9[%swap3A], %swap3A_69 {strides = array<i32>} : memref<512xf32, #tpu.memory_space<vmem>>, vector<16xf32>,
      %scan3A_70 = arith.constant 0 : i32
      scf.yield %scan3A_70 : i32
    }
    %scan3A_17 = arith.constant 32 : i32
    %mul3A_18 = arith.constant 512 : i32
    %mul3A_19 = arith.muli %arg1, %mul3A_18 : i32
    "tpu.region"() ({
      %run_scoped3A_62 = tpu.sem_alloc : memref<!tpu.dma_semaphore, #tpu.memory_space<semaphore_mem>>
      %dma_start3A_63 = tpu.memref_slice %arg10[%mul3A_19] : memref<8192xf32, #tpu.memory_space<vmem_shared>> -> memref<512xf32, #tpu.memory_space<vmem_shared>>
      %dma_start3A_64 = tpu.memref_slice %arg10[%mul3A_19] : memref<8192xf32, #tpu.memory_space<vmem_shared>> -> memref<512xf32, #tpu.memory_space<vmem_shared>>
      tpu.enqueue_dma source(%arg9 : memref<512xf32, #tpu.memory_space<vmem>>) target(%dma_start3A_64 : memref<512xf32, #tpu.memory_space<vmem_shared>>) target_semaphore(%run_scoped3A_62 : memref<!tpu.dma_semaphore, #tpu.memory_space<semaphore_mem>>)
      %dma_wait3A_65 = tpu.memref_slice %arg10[%mul3A_19] : memref<8192xf32, #tpu.memory_space<vmem_shared>> -> memref<512xf32, #tpu.memory_space<vmem_shared>>
      %dma_wait3A_66 = tpu.memref_slice %arg10[%mul3A_19] : memref<8192xf32, #tpu.memory_space<vmem_shared>> -> memref<512xf32, #tpu.memory_space<vmem_shared>>
      tpu.wait_dma2 semaphore(%run_scoped3A_62 : memref<!tpu.dma_semaphore, #tpu.memory_space<semaphore_mem>>) src(%arg9 : memref<512xf32, #tpu.memory_space<vmem>>) dst(%dma_wait3A_66 : memref<512xf32, #tpu.memory_space<vmem_shared>>)
      tpu.yield
    }) : () -> ()
    %barrier3A = arith.constant 0 : index
    tpu.barrier barrier_id(%barrier3A)
    %dma_start3A = arith.constant 0 : i32
    %dma_start3A_20 = arith.constant 0 : i32
    %dma_start3A_21 = arith.constant 0 : i32
    %dma_start3A_22 = tpu.memref_slice %arg7[%dma_start3A_20, %dma_start3A_21] : memref<256x256xf32, #tpu.memory_space<vmem>> -> memref<128x256xf32, #tpu.memory_space<vmem>>
    %dma_start3A_23 = arith.constant 0 : i32
    %dma_start3A_24 = tpu.memref_slice %arg6[%dma_start3A, %dma_start3A_23] : memref<2x128xi32, #tpu.memory_space<vmem>> -> memref<1x128xi32, #tpu.memory_space<vmem>>
    %dma_start3A_25 = tpu.memref_squeeze %dma_start3A_24 : memref<1x128xi32, #tpu.memory_space<vmem>> -> memref<128xi32, #tpu.memory_space<vmem>>
    %dma_start3A_26 = arith.constant 0 : i32
    %dma_start3A_27 = arith.constant 0 : i32
    %dma_start3A_28 = tpu.memref_slice %arg3[%dma_start3A_26, %dma_start3A_27] : memref<8192x256xf32, #tpu.memory_space<hbm>> -> memref<8192x256xf32, #tpu.memory_space<hbm>>
    tpu.enqueue_indirect_dma source(%dma_start3A_28 : memref<8192x256xf32, #tpu.memory_space<hbm>>) target(%dma_start3A_22 : memref<128x256xf32, #tpu.memory_space<vmem>>) offsets(%dma_start3A_25 : memref<128xi32, #tpu.memory_space<vmem>>) semaphore(%arg11 : memref<!tpu.dma_semaphore, #tpu.memory_space<semaphore_mem>>)
    %dma_wait3A = arith.constant 0 : i32
    %dma_wait3A_29 = arith.constant 0 : i32
    %dma_wait3A_30 = arith.constant 0 : i32
    %dma_wait3A_31 = tpu.memref_slice %arg7[%dma_wait3A_29, %dma_wait3A_30] : memref<256x256xf32, #tpu.memory_space<vmem>> -> memref<128x256xf32, #tpu.memory_space<vmem>>
    %dma_wait3A_32 = arith.constant 0 : i32
    %dma_wait3A_33 = tpu.memref_slice %arg6[%dma_wait3A, %dma_wait3A_32] : memref<2x128xi32, #tpu.memory_space<vmem>> -> memref<1x128xi32, #tpu.memory_space<vmem>>
    %dma_wait3A_34 = tpu.memref_squeeze %dma_wait3A_33 : memref<1x128xi32, #tpu.memory_space<vmem>> -> memref<128xi32, #tpu.memory_space<vmem>>
    %dma_wait3A_35 = arith.constant 0 : i32
    %dma_wait3A_36 = arith.constant 0 : i32
    %dma_wait3A_37 = tpu.memref_slice %arg3[%dma_wait3A_35, %dma_wait3A_36] : memref<8192x256xf32, #tpu.memory_space<hbm>> -> memref<8192x256xf32, #tpu.memory_space<hbm>>
    tpu.wait_indirect_dma semaphore(%arg11 : memref<!tpu.dma_semaphore, #tpu.memory_space<semaphore_mem>>) src(%dma_wait3A_37 : memref<8192x256xf32, #tpu.memory_space<hbm>>) dst(%dma_wait3A_31 : memref<128x256xf32, #tpu.memory_space<vmem>>)
    %run_scoped3A = arith.constant 0 : i32
    "tpu.region"() ({
      %run_scoped3A_62 = tpu.sem_alloc : memref<!tpu.dma_semaphore, #tpu.memory_space<semaphore_mem>>
      %dma_start3A_63 = arith.constant 0 : i32
      %dma_start3A_64 = tpu.memref_slice %arg6[%run_scoped3A, %dma_start3A_63] : memref<2x128xi32, #tpu.memory_space<vmem>> -> memref<1x128xi32, #tpu.memory_space<vmem>>
      %dma_start3A_65 = tpu.memref_squeeze %dma_start3A_64 : memref<1x128xi32, #tpu.memory_space<vmem>> -> memref<128xi32, #tpu.memory_space<vmem>>
      %dma_start3A_66 = arith.constant 0 : i32
      %dma_start3A_67 = tpu.memref_slice %arg10[%dma_start3A_66] : memref<8192xf32, #tpu.memory_space<vmem_shared>> -> memref<8192xf32, #tpu.memory_space<vmem_shared>>
      tpu.enqueue_indirect_dma source(%arg8 : memref<128xf32, #tpu.memory_space<vmem>>) target(%dma_start3A_67 : memref<8192xf32, #tpu.memory_space<vmem_shared>>) offsets(%dma_start3A_65 : memref<128xi32, #tpu.memory_space<vmem>>) semaphore(%run_scoped3A_62 : memref<!tpu.dma_semaphore, #tpu.memory_space<semaphore_mem>>) {add = true}
      %dma_wait3A_68 = arith.constant 0 : i32
      %dma_wait3A_69 = tpu.memref_slice %arg6[%run_scoped3A, %dma_wait3A_68] : memref<2x128xi32, #tpu.memory_space<vmem>> -> memref<1x128xi32, #tpu.memory_space<vmem>>
      %dma_wait3A_70 = tpu.memref_squeeze %dma_wait3A_69 : memref<1x128xi32, #tpu.memory_space<vmem>> -> memref<128xi32, #tpu.memory_space<vmem>>
      %dma_wait3A_71 = arith.constant 0 : i32
      %dma_wait3A_72 = tpu.memref_slice %arg10[%dma_wait3A_71] : memref<8192xf32, #tpu.memory_space<vmem_shared>> -> memref<8192xf32, #tpu.memory_space<vmem_shared>>
      tpu.wait_indirect_dma semaphore(%run_scoped3A_62 : memref<!tpu.dma_semaphore, #tpu.memory_space<semaphore_mem>>) src(%arg8 : memref<128xf32, #tpu.memory_space<vmem>>) dst(%dma_wait3A_72 : memref<8192xf32, #tpu.memory_space<vmem_shared>>)
      tpu.yield
    }) : () -> ()
    %dma_start3A_38 = arith.constant 1 : i32
    %dma_start3A_39 = arith.constant 128 : i32
    %dma_start3A_40 = arith.constant 0 : i32
    %dma_start3A_41 = tpu.memref_slice %arg7[%dma_start3A_39, %dma_start3A_40] : memref<256x256xf32, #tpu.memory_space<vmem>> -> memref<128x256xf32, #tpu.memory_space<vmem>>
    %dma_start3A_42 = arith.constant 0 : i32
    %dma_start3A_43 = tpu.memref_slice %arg6[%dma_start3A_38, %dma_start3A_42] : memref<2x128xi32, #tpu.memory_space<vmem>> -> memref<1x128xi32, #tpu.memory_space<vmem>>
    %dma_start3A_44 = tpu.memref_squeeze %dma_start3A_43 : memref<1x128xi32, #tpu.memory_space<vmem>> -> memref<128xi32, #tpu.memory_space<vmem>>
    %dma_start3A_45 = arith.constant 0 : i32
    %dma_start3A_46 = arith.constant 0 : i32
    %dma_start3A_47 = tpu.memref_slice %arg3[%dma_start3A_45, %dma_start3A_46] : memref<8192x256xf32, #tpu.memory_space<hbm>> -> memref<8192x256xf32, #tpu.memory_space<hbm>>
    tpu.enqueue_indirect_dma source(%dma_start3A_47 : memref<8192x256xf32, #tpu.memory_space<hbm>>) target(%dma_start3A_41 : memref<128x256xf32, #tpu.memory_space<vmem>>) offsets(%dma_start3A_44 : memref<128xi32, #tpu.memory_space<vmem>>) semaphore(%arg11 : memref<!tpu.dma_semaphore, #tpu.memory_space<semaphore_mem>>)
    %dma_wait3A_48 = arith.constant 1 : i32
    %dma_wait3A_49 = arith.constant 128 : i32
    %dma_wait3A_50 = arith.constant 0 : i32
    %dma_wait3A_51 = tpu.memref_slice %arg7[%dma_wait3A_49, %dma_wait3A_50] : memref<256x256xf32, #tpu.memory_space<vmem>> -> memref<128x256xf32, #tpu.memory_space<vmem>>
    %dma_wait3A_52 = arith.constant 0 : i32
    %dma_wait3A_53 = tpu.memref_slice %arg6[%dma_wait3A_48, %dma_wait3A_52] : memref<2x128xi32, #tpu.memory_space<vmem>> -> memref<1x128xi32, #tpu.memory_space<vmem>>
    %dma_wait3A_54 = tpu.memref_squeeze %dma_wait3A_53 : memref<1x128xi32, #tpu.memory_space<vmem>> -> memref<128xi32, #tpu.memory_space<vmem>>
    %dma_wait3A_55 = arith.constant 0 : i32
    %dma_wait3A_56 = arith.constant 0 : i32
    %dma_wait3A_57 = tpu.memref_slice %arg3[%dma_wait3A_55, %dma_wait3A_56] : memref<8192x256xf32, #tpu.memory_space<hbm>> -> memref<8192x256xf32, #tpu.memory_space<hbm>>
    tpu.wait_indirect_dma semaphore(%arg11 : memref<!tpu.dma_semaphore, #tpu.memory_space<semaphore_mem>>) src(%dma_wait3A_57 : memref<8192x256xf32, #tpu.memory_space<hbm>>) dst(%dma_wait3A_51 : memref<128x256xf32, #tpu.memory_space<vmem>>)
    %run_scoped3A_58 = arith.constant 1 : i32
    "tpu.region"() ({
      %run_scoped3A_62 = tpu.sem_alloc : memref<!tpu.dma_semaphore, #tpu.memory_space<semaphore_mem>>
      %dma_start3A_63 = arith.constant 0 : i32
      %dma_start3A_64 = tpu.memref_slice %arg6[%run_scoped3A_58, %dma_start3A_63] : memref<2x128xi32, #tpu.memory_space<vmem>> -> memref<1x128xi32, #tpu.memory_space<vmem>>
      %dma_start3A_65 = tpu.memref_squeeze %dma_start3A_64 : memref<1x128xi32, #tpu.memory_space<vmem>> -> memref<128xi32, #tpu.memory_space<vmem>>
      %dma_start3A_66 = arith.constant 0 : i32
      %dma_start3A_67 = tpu.memref_slice %arg10[%dma_start3A_66] : memref<8192xf32, #tpu.memory_space<vmem_shared>> -> memref<8192xf32, #tpu.memory_space<vmem_shared>>
      tpu.enqueue_indirect_dma source(%arg8 : memref<128xf32, #tpu.memory_space<vmem>>) target(%dma_start3A_67 : memref<8192xf32, #tpu.memory_space<vmem_shared>>) offsets(%dma_start3A_65 : memref<128xi32, #tpu.memory_space<vmem>>) semaphore(%run_scoped3A_62 : memref<!tpu.dma_semaphore, #tpu.memory_space<semaphore_mem>>) {add = true}
      %dma_wait3A_68 = arith.constant 0 : i32
      %dma_wait3A_69 = tpu.memref_slice %arg6[%run_scoped3A_58, %dma_wait3A_68] : memref<2x128xi32, #tpu.memory_space<vmem>> -> memref<1x128xi32, #tpu.memory_space<vmem>>
      %dma_wait3A_70 = tpu.memref_squeeze %dma_wait3A_69 : memref<1x128xi32, #tpu.memory_space<vmem>> -> memref<128xi32, #tpu.memory_space<vmem>>
      %dma_wait3A_71 = arith.constant 0 : i32
      %dma_wait3A_72 = tpu.memref_slice %arg10[%dma_wait3A_71] : memref<8192xf32, #tpu.memory_space<vmem_shared>> -> memref<8192xf32, #tpu.memory_space<vmem_shared>>
      tpu.wait_indirect_dma semaphore(%run_scoped3A_62 : memref<!tpu.dma_semaphore, #tpu.memory_space<semaphore_mem>>) src(%arg8 : memref<128xf32, #tpu.memory_space<vmem>>) dst(%dma_wait3A_72 : memref<8192xf32, #tpu.memory_space<vmem_shared>>)
      tpu.yield
    }) : () -> ()
    "tpu.region"() ({
      %run_scoped3A_62 = tpu.sem_alloc : memref<!tpu.dma_semaphore, #tpu.memory_space<semaphore_mem>>
      %dma_start3A_63 = arith.constant 0 : i32
      %dma_start3A_64 = tpu.memref_slice %arg4[%mul3A_2, %dma_start3A_63] : memref<8192x256xf32, #tpu.memory_space<hbm>> -> memref<256x256xf32, #tpu.memory_space<hbm>>
      %dma_start3A_65 = arith.constant 0 : i32
      %dma_start3A_66 = tpu.memref_slice %arg4[%mul3A_2, %dma_start3A_65] : memref<8192x256xf32, #tpu.memory_space<hbm>> -> memref<256x256xf32, #tpu.memory_space<hbm>>
      tpu.enqueue_dma source(%arg7 : memref<256x256xf32, #tpu.memory_space<vmem>>) target(%dma_start3A_66 : memref<256x256xf32, #tpu.memory_space<hbm>>) target_semaphore(%run_scoped3A_62 : memref<!tpu.dma_semaphore, #tpu.memory_space<semaphore_mem>>)
      %dma_wait3A_67 = arith.constant 0 : i32
      %dma_wait3A_68 = tpu.memref_slice %arg4[%mul3A_2, %dma_wait3A_67] : memref<8192x256xf32, #tpu.memory_space<hbm>> -> memref<256x256xf32, #tpu.memory_space<hbm>>
      %dma_wait3A_69 = arith.constant 0 : i32
      %dma_wait3A_70 = tpu.memref_slice %arg4[%mul3A_2, %dma_wait3A_69] : memref<8192x256xf32, #tpu.memory_space<hbm>> -> memref<256x256xf32, #tpu.memory_space<hbm>>
      tpu.wait_dma2 semaphore(%run_scoped3A_62 : memref<!tpu.dma_semaphore, #tpu.memory_space<semaphore_mem>>) src(%arg7 : memref<256x256xf32, #tpu.memory_space<vmem>>) dst(%dma_wait3A_70 : memref<256x256xf32, #tpu.memory_space<hbm>>)
      tpu.yield
    }) : () -> ()
    %barrier3A_59 = arith.constant 0 : index
    tpu.barrier barrier_id(%barrier3A_59)
    %eq3A = arith.constant 0 : i32
    %eq3A_60 = arith.cmpi eq, %arg1, %eq3A : i32
    %convert_element_type3A = arith.extui %eq3A_60 : i1 to i32
    %cond3A = arith.constant 0 : i32
    %cond3A_61 = arith.cmpi ne, %convert_element_type3A, %cond3A : i32
    scf.if %cond3A_61 {
      "tpu.region"() ({
        %run_scoped3A_62 = tpu.sem_alloc : memref<!tpu.dma_semaphore, #tpu.memory_space<semaphore_mem>>
        %dma_start3A_63 = arith.constant 0 : i32
        %dma_start3A_64 = tpu.memref_slice %arg5[%arg0, %dma_start3A_63] : memref<2x8192xf32, #tpu.memory_space<hbm>> -> memref<1x8192xf32, #tpu.memory_space<hbm>>
        %dma_start3A_65 = tpu.memref_squeeze %dma_start3A_64 : memref<1x8192xf32, #tpu.memory_space<hbm>> -> memref<8192xf32, #tpu.memory_space<hbm>>
        tpu.enqueue_dma source(%arg10 : memref<8192xf32, #tpu.memory_space<vmem_shared>>) target(%dma_start3A_65 : memref<8192xf32, #tpu.memory_space<hbm>>) target_semaphore(%run_scoped3A_62 : memref<!tpu.dma_semaphore, #tpu.memory_space<semaphore_mem>>)
        %dma_wait3A_66 = arith.constant 0 : i32
        %dma_wait3A_67 = tpu.memref_slice %arg5[%arg0, %dma_wait3A_66] : memref<2x8192xf32, #tpu.memory_space<hbm>> -> memref<1x8192xf32, #tpu.memory_space<hbm>>
        %dma_wait3A_68 = tpu.memref_squeeze %dma_wait3A_67 : memref<1x8192xf32, #tpu.memory_space<hbm>> -> memref<8192xf32, #tpu.memory_space<hbm>>
        tpu.wait_dma2 semaphore(%run_scoped3A_62 : memref<!tpu.dma_semaphore, #tpu.memory_space<semaphore_mem>>) src(%arg10 : memref<8192xf32, #tpu.memory_space<vmem_shared>>) dst(%dma_wait3A_68 : memref<8192xf32, #tpu.memory_space<hbm>>)
        tpu.yield
      }) : () -> ()
    } else {
    }
    return
  }
}

module attributes {stable_mosaic.version = 14 : i64} {
  func.func @_finalize_body(%arg0: memref<2x8192xf32, #tpu.memory_space<vmem>>, %arg1: memref<1x8192xf32, #tpu.memory_space<vmem>>, %arg2: memref<1x1xf32, #tpu.memory_space<vmem>>) attributes {dimension_semantics = [], scalar_prefetch = 0 : i64, scratch_operands = 0 : i64, tpu.core_type = #tpu.core_type<tc>} {
    %get3A = arith.constant 0 : index
    %get3A_0 = arith.constant 0 : index
    %get3A_1 = vector.load %arg0[%get3A, %get3A_0] : memref<2x8192xf32, #tpu.memory_space<vmem>>, vector<2x8192xf32>
    %reduce_sum3A = arith.constant dense<0.000000e+00> : vector<8192xf32>
    %reduce_sum3A_2 = vector.multi_reduction <add>, %get3A_1, %reduce_sum3A [0] : vector<2x8192xf32> to vector<8192xf32>
    %broadcast_in_dim3A = vector.shape_cast %reduce_sum3A_2 : vector<8192xf32> to vector<1x8192xf32>
    %swap3A = arith.constant 0 : index
    %swap3A_3 = arith.constant 0 : index
    %swap3A_4 = vector.load %arg1[%swap3A, %swap3A_3] : memref<1x8192xf32, #tpu.memory_space<vmem>>, vector<1x8192xf32>
    tpu.vector_store %arg1[%swap3A, %swap3A_3], %broadcast_in_dim3A {strides = array<i32>} : memref<1x8192xf32, #tpu.memory_space<vmem>>, vector<1x8192xf32>,
    %mul3A = arith.constant 1.22070313E-4 : f32
    %mul3A_5 = vector.broadcast %mul3A : f32 to vector<1x8192xf32>
    %mul3A_6 = arith.mulf %broadcast_in_dim3A, %mul3A_5 : vector<1x8192xf32>
    %add3A = arith.constant 1.000000e-10 : f32
    %add3A_7 = vector.broadcast %add3A : f32 to vector<1x8192xf32>
    %add3A_8 = arith.addf %mul3A_6, %add3A_7 : vector<1x8192xf32>
    %log3A = math.log %add3A_8 : vector<1x8192xf32>
    %mul3A_9 = arith.mulf %mul3A_6, %log3A : vector<1x8192xf32>
    %reduce_sum3A_10 = arith.constant dense<0.000000e+00> : vector<1xf32>
    %reduce_sum3A_11 = vector.multi_reduction <add>, %mul3A_9, %reduce_sum3A_10 [1] : vector<1x8192xf32> to vector<1xf32>
    %broadcast_in_dim3A_12 = vector.shape_cast %reduce_sum3A_11 : vector<1xf32> to vector<1x1xf32>
    %neg3A = arith.constant 0.000000e+00 : f32
    %neg3A_13 = vector.broadcast %neg3A : f32 to vector<1x1xf32>
    %neg3A_14 = arith.subf %neg3A_13, %broadcast_in_dim3A_12 : vector<1x1xf32>
    %exp3A = math.exp %neg3A_14 : vector<1x1xf32>
    %swap3A_15 = arith.constant 0 : index
    %swap3A_16 = arith.constant 0 : index
    %swap3A_17 = vector.load %arg2[%swap3A_15, %swap3A_16] : memref<1x1xf32, #tpu.memory_space<vmem>>, vector<1x1xf32>
    tpu.vector_store %arg2[%swap3A_15, %swap3A_16], %exp3A {strides = array<i32>} : memref<1x1xf32, #tpu.memory_space<vmem>>, vector<1x1xf32>,
    return
  }
}

module attributes {stable_mosaic.version = 14 : i64} {
  func.func @_argmin_body(%arg0: i32, %arg1: memref<256x256xf32, #tpu.memory_space<vmem>>, %arg2: memref<1x256xf32, #tpu.memory_space<vmem>>, %arg3: memref<8192x256xf32, #tpu.memory_space<vmem>>, %arg4: memref<1x1x256xi32, #tpu.memory_space<vmem>>, %arg5: memref<1x1xf32, #tpu.memory_space<vmem>>) attributes {dimension_semantics = [#tpu.dimension_semantics<arbitrary>], iteration_bounds = array<i64: 32>, scalar_prefetch = 0 : i64, scratch_operands = 0 : i64, tpu.core_type = #tpu.core_type<tc>, window_params = [{transform_indices = @transform_0, window_bounds = array<i64: 256, 256>}, {transform_indices = @transform_1, window_bounds = array<i64: 1, 256>}, {pipeline_mode = #tpu.pipeline_mode<synchronous>, transform_indices = @transform_2, window_bounds = array<i64: 8192, 256>}, {transform_indices = @transform_3, window_bounds = array<i64: 1, 1, 256>}, {pipeline_mode = #tpu.pipeline_mode<synchronous>, transform_indices = @transform_4, window_bounds = array<i64: 1, 1>}]} {
    %get3A = arith.constant 0 : index
    %get3A_0 = arith.constant 0 : index
    %get3A_1 = vector.load %arg1[%get3A, %get3A_0] : memref<256x256xf32, #tpu.memory_space<vmem>>, vector<256x256xf32>
    %get3A_2 = arith.constant 0 : index
    %get3A_3 = arith.constant 0 : index
    %get3A_4 = vector.load %arg2[%get3A_2, %get3A_3] : memref<1x256xf32, #tpu.memory_space<vmem>>, vector<1x256xf32>
    %get3A_5 = arith.constant 0 : index
    %get3A_6 = arith.constant 0 : index
    %get3A_7 = vector.load %arg3[%get3A_5, %get3A_6] : memref<8192x256xf32, #tpu.memory_space<vmem>>, vector<1024x256xf32>
    %dot_general3A = arith.constant dense<0.000000e+00> : vector<1024x256xf32>
    %dot_general3A_8 = tpu.matmul %get3A_7, %get3A_1, %dot_general3A {dimension_numbers = #tpu.dot_dimension_numbers<[1], [1], [0], [0], [0, 0, 1, 0], [], []>, transpose_lhs_hint = false} : vector<1024x256xf32>, vector<256x256xf32>, vector<1024x256xf32> -> vector<1024x256xf32>
    %mul3A = arith.mulf %get3A_7, %get3A_7 : vector<1024x256xf32>
    %reduce_sum3A = arith.constant dense<0.000000e+00> : vector<1024xf32>
    %reduce_sum3A_9 = vector.multi_reduction <add>, %mul3A, %reduce_sum3A [1] : vector<1024x256xf32> to vector<1024xf32>
    %broadcast_in_dim3A = vector.shape_cast %reduce_sum3A_9 : vector<1024xf32> to vector<1024x1xf32>
    %mul3A_10 = arith.constant 2.000000e+00 : f32
    %mul3A_11 = vector.broadcast %mul3A_10 : f32 to vector<1024x256xf32>
    %mul3A_12 = arith.mulf %mul3A_11, %dot_general3A_8 : vector<1024x256xf32>
    %sub3A = vector.broadcast %get3A_4 : vector<1x256xf32> to vector<1024x256xf32>
    %sub3A_13 = arith.subf %sub3A, %mul3A_12 : vector<1024x256xf32>
    %add3A = vector.broadcast %broadcast_in_dim3A : vector<1024x1xf32> to vector<1024x256xf32>
    %add3A_14 = arith.addf %sub3A_13, %add3A : vector<1024x256xf32>
    %reduce_min3A = arith.constant dense<0x7F800000> : vector<256xf32>
    %reduce_min3A_15 = vector.multi_reduction <minimumf>, %add3A_14, %reduce_min3A [0] : vector<1024x256xf32> to vector<256xf32>
    %broadcast_in_dim3A_16 = vector.shape_cast %reduce_min3A_15 : vector<256xf32> to vector<1x256xf32>
    %iota3A = tpu.iota {dimensions = array<i32: 0>} : vector<1024x256xi32>
    %add3A_17 = arith.constant 0 : i32
    %add3A_18 = vector.broadcast %add3A_17 : i32 to vector<1024x256xi32>
    %add3A_19 = arith.addi %iota3A, %add3A_18 : vector<1024x256xi32>
    %eq3A = vector.broadcast %broadcast_in_dim3A_16 : vector<1x256xf32> to vector<1024x256xf32>
    %eq3A_20 = arith.cmpf oeq, %add3A_14, %eq3A : vector<1024x256xf32>
    %jit3A = arith.constant 2147483647 : i32
    %broadcast_in_dim3A_21 = vector.broadcast %jit3A : i32 to vector<1024x256xi32>
    %select_n3A = arith.select %eq3A_20, %add3A_19, %broadcast_in_dim3A_21 : vector<1024x256xi1>, vector<1024x256xi32>
    %reduce_min3A_22 = arith.constant dense<2147483647> : vector<256xi32>
    %reduce_min3A_23 = vector.multi_reduction <minsi>, %select_n3A, %reduce_min3A_22 [0] : vector<1024x256xi32> to vector<256xi32>
    %broadcast_in_dim3A_24 = vector.shape_cast %reduce_min3A_23 : vector<256xi32> to vector<1x256xi32>
    %get3A_25 = arith.constant 1024 : index
    %get3A_26 = arith.constant 0 : index
    %get3A_27 = vector.load %arg3[%get3A_25, %get3A_26] : memref<8192x256xf32, #tpu.memory_space<vmem>>, vector<1024x256xf32>
    %dot_general3A_28 = arith.constant dense<0.000000e+00> : vector<1024x256xf32>
    %dot_general3A_29 = tpu.matmul %get3A_27, %get3A_1, %dot_general3A_28 {dimension_numbers = #tpu.dot_dimension_numbers<[1], [1], [0], [0], [0, 0, 1, 0], [], []>, transpose_lhs_hint = false} : vector<1024x256xf32>, vector<256x256xf32>, vector<1024x256xf32> -> vector<1024x256xf32>
    %mul3A_30 = arith.mulf %get3A_27, %get3A_27 : vector<1024x256xf32>
    %reduce_sum3A_31 = arith.constant dense<0.000000e+00> : vector<1024xf32>
    %reduce_sum3A_32 = vector.multi_reduction <add>, %mul3A_30, %reduce_sum3A_31 [1] : vector<1024x256xf32> to vector<1024xf32>
    %broadcast_in_dim3A_33 = vector.shape_cast %reduce_sum3A_32 : vector<1024xf32> to vector<1024x1xf32>
    %mul3A_34 = arith.constant 2.000000e+00 : f32
    %mul3A_35 = vector.broadcast %mul3A_34 : f32 to vector<1024x256xf32>
    %mul3A_36 = arith.mulf %mul3A_35, %dot_general3A_29 : vector<1024x256xf32>
    %sub3A_37 = vector.broadcast %get3A_4 : vector<1x256xf32> to vector<1024x256xf32>
    %sub3A_38 = arith.subf %sub3A_37, %mul3A_36 : vector<1024x256xf32>
    %add3A_39 = vector.broadcast %broadcast_in_dim3A_33 : vector<1024x1xf32> to vector<1024x256xf32>
    %add3A_40 = arith.addf %sub3A_38, %add3A_39 : vector<1024x256xf32>
    %reduce_min3A_41 = arith.constant dense<0x7F800000> : vector<256xf32>
    %reduce_min3A_42 = vector.multi_reduction <minimumf>, %add3A_40, %reduce_min3A_41 [0] : vector<1024x256xf32> to vector<256xf32>
    %broadcast_in_dim3A_43 = vector.shape_cast %reduce_min3A_42 : vector<256xf32> to vector<1x256xf32>
    %iota3A_44 = tpu.iota {dimensions = array<i32: 0>} : vector<1024x256xi32>
    %add3A_45 = arith.constant 1024 : i32
    %add3A_46 = vector.broadcast %add3A_45 : i32 to vector<1024x256xi32>
    %add3A_47 = arith.addi %iota3A_44, %add3A_46 : vector<1024x256xi32>
    %eq3A_48 = vector.broadcast %broadcast_in_dim3A_43 : vector<1x256xf32> to vector<1024x256xf32>
    %eq3A_49 = arith.cmpf oeq, %add3A_40, %eq3A_48 : vector<1024x256xf32>
    %jit3A_50 = arith.constant 2147483647 : i32
    %broadcast_in_dim3A_51 = vector.broadcast %jit3A_50 : i32 to vector<1024x256xi32>
    %select_n3A_52 = arith.select %eq3A_49, %add3A_47, %broadcast_in_dim3A_51 : vector<1024x256xi1>, vector<1024x256xi32>
    %reduce_min3A_53 = arith.constant dense<2147483647> : vector<256xi32>
    %reduce_min3A_54 = vector.multi_reduction <minsi>, %select_n3A_52, %reduce_min3A_53 [0] : vector<1024x256xi32> to vector<256xi32>
    %broadcast_in_dim3A_55 = vector.shape_cast %reduce_min3A_54 : vector<256xi32> to vector<1x256xi32>
    %lt3A = arith.cmpf olt, %broadcast_in_dim3A_43, %broadcast_in_dim3A_16 : vector<1x256xf32>
    %select_n3A_56 = arith.select %lt3A, %broadcast_in_dim3A_55, %broadcast_in_dim3A_24 : vector<1x256xi1>, vector<1x256xi32>
    %select_n3A_57 = arith.select %lt3A, %broadcast_in_dim3A_43, %broadcast_in_dim3A_16 : vector<1x256xi1>, vector<1x256xf32>
    %get3A_58 = arith.constant 2048 : index
    %get3A_59 = arith.constant 0 : index
    %get3A_60 = vector.load %arg3[%get3A_58, %get3A_59] : memref<8192x256xf32, #tpu.memory_space<vmem>>, vector<1024x256xf32>
    %dot_general3A_61 = arith.constant dense<0.000000e+00> : vector<1024x256xf32>
    %dot_general3A_62 = tpu.matmul %get3A_60, %get3A_1, %dot_general3A_61 {dimension_numbers = #tpu.dot_dimension_numbers<[1], [1], [0], [0], [0, 0, 1, 0], [], []>, transpose_lhs_hint = false} : vector<1024x256xf32>, vector<256x256xf32>, vector<1024x256xf32> -> vector<1024x256xf32>
    %mul3A_63 = arith.mulf %get3A_60, %get3A_60 : vector<1024x256xf32>
    %reduce_sum3A_64 = arith.constant dense<0.000000e+00> : vector<1024xf32>
    %reduce_sum3A_65 = vector.multi_reduction <add>, %mul3A_63, %reduce_sum3A_64 [1] : vector<1024x256xf32> to vector<1024xf32>
    %broadcast_in_dim3A_66 = vector.shape_cast %reduce_sum3A_65 : vector<1024xf32> to vector<1024x1xf32>
    %mul3A_67 = arith.constant 2.000000e+00 : f32
    %mul3A_68 = vector.broadcast %mul3A_67 : f32 to vector<1024x256xf32>
    %mul3A_69 = arith.mulf %mul3A_68, %dot_general3A_62 : vector<1024x256xf32>
    %sub3A_70 = vector.broadcast %get3A_4 : vector<1x256xf32> to vector<1024x256xf32>
    %sub3A_71 = arith.subf %sub3A_70, %mul3A_69 : vector<1024x256xf32>
    %add3A_72 = vector.broadcast %broadcast_in_dim3A_66 : vector<1024x1xf32> to vector<1024x256xf32>
    %add3A_73 = arith.addf %sub3A_71, %add3A_72 : vector<1024x256xf32>
    %reduce_min3A_74 = arith.constant dense<0x7F800000> : vector<256xf32>
    %reduce_min3A_75 = vector.multi_reduction <minimumf>, %add3A_73, %reduce_min3A_74 [0] : vector<1024x256xf32> to vector<256xf32>
    %broadcast_in_dim3A_76 = vector.shape_cast %reduce_min3A_75 : vector<256xf32> to vector<1x256xf32>
    %iota3A_77 = tpu.iota {dimensions = array<i32: 0>} : vector<1024x256xi32>
    %add3A_78 = arith.constant 2048 : i32
    %add3A_79 = vector.broadcast %add3A_78 : i32 to vector<1024x256xi32>
    %add3A_80 = arith.addi %iota3A_77, %add3A_79 : vector<1024x256xi32>
    %eq3A_81 = vector.broadcast %broadcast_in_dim3A_76 : vector<1x256xf32> to vector<1024x256xf32>
    %eq3A_82 = arith.cmpf oeq, %add3A_73, %eq3A_81 : vector<1024x256xf32>
    %jit3A_83 = arith.constant 2147483647 : i32
    %broadcast_in_dim3A_84 = vector.broadcast %jit3A_83 : i32 to vector<1024x256xi32>
    %select_n3A_85 = arith.select %eq3A_82, %add3A_80, %broadcast_in_dim3A_84 : vector<1024x256xi1>, vector<1024x256xi32>
    %reduce_min3A_86 = arith.constant dense<2147483647> : vector<256xi32>
    %reduce_min3A_87 = vector.multi_reduction <minsi>, %select_n3A_85, %reduce_min3A_86 [0] : vector<1024x256xi32> to vector<256xi32>
    %broadcast_in_dim3A_88 = vector.shape_cast %reduce_min3A_87 : vector<256xi32> to vector<1x256xi32>
    %lt3A_89 = arith.cmpf olt, %broadcast_in_dim3A_76, %select_n3A_57 : vector<1x256xf32>
    %select_n3A_90 = arith.select %lt3A_89, %broadcast_in_dim3A_88, %select_n3A_56 : vector<1x256xi1>, vector<1x256xi32>
    %select_n3A_91 = arith.select %lt3A_89, %broadcast_in_dim3A_76, %select_n3A_57 : vector<1x256xi1>, vector<1x256xf32>
    %get3A_92 = arith.constant 3072 : index
    %get3A_93 = arith.constant 0 : index
    %get3A_94 = vector.load %arg3[%get3A_92, %get3A_93] : memref<8192x256xf32, #tpu.memory_space<vmem>>, vector<1024x256xf32>
    %dot_general3A_95 = arith.constant dense<0.000000e+00> : vector<1024x256xf32>
    %dot_general3A_96 = tpu.matmul %get3A_94, %get3A_1, %dot_general3A_95 {dimension_numbers = #tpu.dot_dimension_numbers<[1], [1], [0], [0], [0, 0, 1, 0], [], []>, transpose_lhs_hint = false} : vector<1024x256xf32>, vector<256x256xf32>, vector<1024x256xf32> -> vector<1024x256xf32>
    %mul3A_97 = arith.mulf %get3A_94, %get3A_94 : vector<1024x256xf32>
    %reduce_sum3A_98 = arith.constant dense<0.000000e+00> : vector<1024xf32>
    %reduce_sum3A_99 = vector.multi_reduction <add>, %mul3A_97, %reduce_sum3A_98 [1] : vector<1024x256xf32> to vector<1024xf32>
    %broadcast_in_dim3A_100 = vector.shape_cast %reduce_sum3A_99 : vector<1024xf32> to vector<1024x1xf32>
    %mul3A_101 = arith.constant 2.000000e+00 : f32
    %mul3A_102 = vector.broadcast %mul3A_101 : f32 to vector<1024x256xf32>
    %mul3A_103 = arith.mulf %mul3A_102, %dot_general3A_96 : vector<1024x256xf32>
    %sub3A_104 = vector.broadcast %get3A_4 : vector<1x256xf32> to vector<1024x256xf32>
    %sub3A_105 = arith.subf %sub3A_104, %mul3A_103 : vector<1024x256xf32>
    %add3A_106 = vector.broadcast %broadcast_in_dim3A_100 : vector<1024x1xf32> to vector<1024x256xf32>
    %add3A_107 = arith.addf %sub3A_105, %add3A_106 : vector<1024x256xf32>
    %reduce_min3A_108 = arith.constant dense<0x7F800000> : vector<256xf32>
    %reduce_min3A_109 = vector.multi_reduction <minimumf>, %add3A_107, %reduce_min3A_108 [0] : vector<1024x256xf32> to vector<256xf32>
    %broadcast_in_dim3A_110 = vector.shape_cast %reduce_min3A_109 : vector<256xf32> to vector<1x256xf32>
    %iota3A_111 = tpu.iota {dimensions = array<i32: 0>} : vector<1024x256xi32>
    %add3A_112 = arith.constant 3072 : i32
    %add3A_113 = vector.broadcast %add3A_112 : i32 to vector<1024x256xi32>
    %add3A_114 = arith.addi %iota3A_111, %add3A_113 : vector<1024x256xi32>
    %eq3A_115 = vector.broadcast %broadcast_in_dim3A_110 : vector<1x256xf32> to vector<1024x256xf32>
    %eq3A_116 = arith.cmpf oeq, %add3A_107, %eq3A_115 : vector<1024x256xf32>
    %jit3A_117 = arith.constant 2147483647 : i32
    %broadcast_in_dim3A_118 = vector.broadcast %jit3A_117 : i32 to vector<1024x256xi32>
    %select_n3A_119 = arith.select %eq3A_116, %add3A_114, %broadcast_in_dim3A_118 : vector<1024x256xi1>, vector<1024x256xi32>
    %reduce_min3A_120 = arith.constant dense<2147483647> : vector<256xi32>
    %reduce_min3A_121 = vector.multi_reduction <minsi>, %select_n3A_119, %reduce_min3A_120 [0] : vector<1024x256xi32> to vector<256xi32>
    %broadcast_in_dim3A_122 = vector.shape_cast %reduce_min3A_121 : vector<256xi32> to vector<1x256xi32>
    %lt3A_123 = arith.cmpf olt, %broadcast_in_dim3A_110, %select_n3A_91 : vector<1x256xf32>
    %select_n3A_124 = arith.select %lt3A_123, %broadcast_in_dim3A_122, %select_n3A_90 : vector<1x256xi1>, vector<1x256xi32>
    %select_n3A_125 = arith.select %lt3A_123, %broadcast_in_dim3A_110, %select_n3A_91 : vector<1x256xi1>, vector<1x256xf32>
    %get3A_126 = arith.constant 4096 : index
    %get3A_127 = arith.constant 0 : index
    %get3A_128 = vector.load %arg3[%get3A_126, %get3A_127] : memref<8192x256xf32, #tpu.memory_space<vmem>>, vector<1024x256xf32>
    %dot_general3A_129 = arith.constant dense<0.000000e+00> : vector<1024x256xf32>
    %dot_general3A_130 = tpu.matmul %get3A_128, %get3A_1, %dot_general3A_129 {dimension_numbers = #tpu.dot_dimension_numbers<[1], [1], [0], [0], [0, 0, 1, 0], [], []>, transpose_lhs_hint = false} : vector<1024x256xf32>, vector<256x256xf32>, vector<1024x256xf32> -> vector<1024x256xf32>
    %mul3A_131 = arith.mulf %get3A_128, %get3A_128 : vector<1024x256xf32>
    %reduce_sum3A_132 = arith.constant dense<0.000000e+00> : vector<1024xf32>
    %reduce_sum3A_133 = vector.multi_reduction <add>, %mul3A_131, %reduce_sum3A_132 [1] : vector<1024x256xf32> to vector<1024xf32>
    %broadcast_in_dim3A_134 = vector.shape_cast %reduce_sum3A_133 : vector<1024xf32> to vector<1024x1xf32>
    %mul3A_135 = arith.constant 2.000000e+00 : f32
    %mul3A_136 = vector.broadcast %mul3A_135 : f32 to vector<1024x256xf32>
    %mul3A_137 = arith.mulf %mul3A_136, %dot_general3A_130 : vector<1024x256xf32>
    %sub3A_138 = vector.broadcast %get3A_4 : vector<1x256xf32> to vector<1024x256xf32>
    %sub3A_139 = arith.subf %sub3A_138, %mul3A_137 : vector<1024x256xf32>
    %add3A_140 = vector.broadcast %broadcast_in_dim3A_134 : vector<1024x1xf32> to vector<1024x256xf32>
    %add3A_141 = arith.addf %sub3A_139, %add3A_140 : vector<1024x256xf32>
    %reduce_min3A_142 = arith.constant dense<0x7F800000> : vector<256xf32>
    %reduce_min3A_143 = vector.multi_reduction <minimumf>, %add3A_141, %reduce_min3A_142 [0] : vector<1024x256xf32> to vector<256xf32>
    %broadcast_in_dim3A_144 = vector.shape_cast %reduce_min3A_143 : vector<256xf32> to vector<1x256xf32>
    %iota3A_145 = tpu.iota {dimensions = array<i32: 0>} : vector<1024x256xi32>
    %add3A_146 = arith.constant 4096 : i32
    %add3A_147 = vector.broadcast %add3A_146 : i32 to vector<1024x256xi32>
    %add3A_148 = arith.addi %iota3A_145, %add3A_147 : vector<1024x256xi32>
    %eq3A_149 = vector.broadcast %broadcast_in_dim3A_144 : vector<1x256xf32> to vector<1024x256xf32>
    %eq3A_150 = arith.cmpf oeq, %add3A_141, %eq3A_149 : vector<1024x256xf32>
    %jit3A_151 = arith.constant 2147483647 : i32
    %broadcast_in_dim3A_152 = vector.broadcast %jit3A_151 : i32 to vector<1024x256xi32>
    %select_n3A_153 = arith.select %eq3A_150, %add3A_148, %broadcast_in_dim3A_152 : vector<1024x256xi1>, vector<1024x256xi32>
    %reduce_min3A_154 = arith.constant dense<2147483647> : vector<256xi32>
    %reduce_min3A_155 = vector.multi_reduction <minsi>, %select_n3A_153, %reduce_min3A_154 [0] : vector<1024x256xi32> to vector<256xi32>
    %broadcast_in_dim3A_156 = vector.shape_cast %reduce_min3A_155 : vector<256xi32> to vector<1x256xi32>
    %lt3A_157 = arith.cmpf olt, %broadcast_in_dim3A_144, %select_n3A_125 : vector<1x256xf32>
    %select_n3A_158 = arith.select %lt3A_157, %broadcast_in_dim3A_156, %select_n3A_124 : vector<1x256xi1>, vector<1x256xi32>
    %select_n3A_159 = arith.select %lt3A_157, %broadcast_in_dim3A_144, %select_n3A_125 : vector<1x256xi1>, vector<1x256xf32>
    %get3A_160 = arith.constant 5120 : index
    %get3A_161 = arith.constant 0 : index
    %get3A_162 = vector.load %arg3[%get3A_160, %get3A_161] : memref<8192x256xf32, #tpu.memory_space<vmem>>, vector<1024x256xf32>
    %dot_general3A_163 = arith.constant dense<0.000000e+00> : vector<1024x256xf32>
    %dot_general3A_164 = tpu.matmul %get3A_162, %get3A_1, %dot_general3A_163 {dimension_numbers = #tpu.dot_dimension_numbers<[1], [1], [0], [0], [0, 0, 1, 0], [], []>, transpose_lhs_hint = false} : vector<1024x256xf32>, vector<256x256xf32>, vector<1024x256xf32> -> vector<1024x256xf32>
    %mul3A_165 = arith.mulf %get3A_162, %get3A_162 : vector<1024x256xf32>
    %reduce_sum3A_166 = arith.constant dense<0.000000e+00> : vector<1024xf32>
    %reduce_sum3A_167 = vector.multi_reduction <add>, %mul3A_165, %reduce_sum3A_166 [1] : vector<1024x256xf32> to vector<1024xf32>
    %broadcast_in_dim3A_168 = vector.shape_cast %reduce_sum3A_167 : vector<1024xf32> to vector<1024x1xf32>
    %mul3A_169 = arith.constant 2.000000e+00 : f32
    %mul3A_170 = vector.broadcast %mul3A_169 : f32 to vector<1024x256xf32>
    %mul3A_171 = arith.mulf %mul3A_170, %dot_general3A_164 : vector<1024x256xf32>
    %sub3A_172 = vector.broadcast %get3A_4 : vector<1x256xf32> to vector<1024x256xf32>
    %sub3A_173 = arith.subf %sub3A_172, %mul3A_171 : vector<1024x256xf32>
    %add3A_174 = vector.broadcast %broadcast_in_dim3A_168 : vector<1024x1xf32> to vector<1024x256xf32>
    %add3A_175 = arith.addf %sub3A_173, %add3A_174 : vector<1024x256xf32>
    %reduce_min3A_176 = arith.constant dense<0x7F800000> : vector<256xf32>
    %reduce_min3A_177 = vector.multi_reduction <minimumf>, %add3A_175, %reduce_min3A_176 [0] : vector<1024x256xf32> to vector<256xf32>
    %broadcast_in_dim3A_178 = vector.shape_cast %reduce_min3A_177 : vector<256xf32> to vector<1x256xf32>
    %iota3A_179 = tpu.iota {dimensions = array<i32: 0>} : vector<1024x256xi32>
    %add3A_180 = arith.constant 5120 : i32
    %add3A_181 = vector.broadcast %add3A_180 : i32 to vector<1024x256xi32>
    %add3A_182 = arith.addi %iota3A_179, %add3A_181 : vector<1024x256xi32>
    %eq3A_183 = vector.broadcast %broadcast_in_dim3A_178 : vector<1x256xf32> to vector<1024x256xf32>
    %eq3A_184 = arith.cmpf oeq, %add3A_175, %eq3A_183 : vector<1024x256xf32>
    %jit3A_185 = arith.constant 2147483647 : i32
    %broadcast_in_dim3A_186 = vector.broadcast %jit3A_185 : i32 to vector<1024x256xi32>
    %select_n3A_187 = arith.select %eq3A_184, %add3A_182, %broadcast_in_dim3A_186 : vector<1024x256xi1>, vector<1024x256xi32>
    %reduce_min3A_188 = arith.constant dense<2147483647> : vector<256xi32>
    %reduce_min3A_189 = vector.multi_reduction <minsi>, %select_n3A_187, %reduce_min3A_188 [0] : vector<1024x256xi32> to vector<256xi32>
    %broadcast_in_dim3A_190 = vector.shape_cast %reduce_min3A_189 : vector<256xi32> to vector<1x256xi32>
    %lt3A_191 = arith.cmpf olt, %broadcast_in_dim3A_178, %select_n3A_159 : vector<1x256xf32>
    %select_n3A_192 = arith.select %lt3A_191, %broadcast_in_dim3A_190, %select_n3A_158 : vector<1x256xi1>, vector<1x256xi32>
    %select_n3A_193 = arith.select %lt3A_191, %broadcast_in_dim3A_178, %select_n3A_159 : vector<1x256xi1>, vector<1x256xf32>
    %get3A_194 = arith.constant 6144 : index
    %get3A_195 = arith.constant 0 : index
    %get3A_196 = vector.load %arg3[%get3A_194, %get3A_195] : memref<8192x256xf32, #tpu.memory_space<vmem>>, vector<1024x256xf32>
    %dot_general3A_197 = arith.constant dense<0.000000e+00> : vector<1024x256xf32>
    %dot_general3A_198 = tpu.matmul %get3A_196, %get3A_1, %dot_general3A_197 {dimension_numbers = #tpu.dot_dimension_numbers<[1], [1], [0], [0], [0, 0, 1, 0], [], []>, transpose_lhs_hint = false} : vector<1024x256xf32>, vector<256x256xf32>, vector<1024x256xf32> -> vector<1024x256xf32>
    %mul3A_199 = arith.mulf %get3A_196, %get3A_196 : vector<1024x256xf32>
    %reduce_sum3A_200 = arith.constant dense<0.000000e+00> : vector<1024xf32>
    %reduce_sum3A_201 = vector.multi_reduction <add>, %mul3A_199, %reduce_sum3A_200 [1] : vector<1024x256xf32> to vector<1024xf32>
    %broadcast_in_dim3A_202 = vector.shape_cast %reduce_sum3A_201 : vector<1024xf32> to vector<1024x1xf32>
    %mul3A_203 = arith.constant 2.000000e+00 : f32
    %mul3A_204 = vector.broadcast %mul3A_203 : f32 to vector<1024x256xf32>
    %mul3A_205 = arith.mulf %mul3A_204, %dot_general3A_198 : vector<1024x256xf32>
    %sub3A_206 = vector.broadcast %get3A_4 : vector<1x256xf32> to vector<1024x256xf32>
    %sub3A_207 = arith.subf %sub3A_206, %mul3A_205 : vector<1024x256xf32>
    %add3A_208 = vector.broadcast %broadcast_in_dim3A_202 : vector<1024x1xf32> to vector<1024x256xf32>
    %add3A_209 = arith.addf %sub3A_207, %add3A_208 : vector<1024x256xf32>
    %reduce_min3A_210 = arith.constant dense<0x7F800000> : vector<256xf32>
    %reduce_min3A_211 = vector.multi_reduction <minimumf>, %add3A_209, %reduce_min3A_210 [0] : vector<1024x256xf32> to vector<256xf32>
    %broadcast_in_dim3A_212 = vector.shape_cast %reduce_min3A_211 : vector<256xf32> to vector<1x256xf32>
    %iota3A_213 = tpu.iota {dimensions = array<i32: 0>} : vector<1024x256xi32>
    %add3A_214 = arith.constant 6144 : i32
    %add3A_215 = vector.broadcast %add3A_214 : i32 to vector<1024x256xi32>
    %add3A_216 = arith.addi %iota3A_213, %add3A_215 : vector<1024x256xi32>
    %eq3A_217 = vector.broadcast %broadcast_in_dim3A_212 : vector<1x256xf32> to vector<1024x256xf32>
    %eq3A_218 = arith.cmpf oeq, %add3A_209, %eq3A_217 : vector<1024x256xf32>
    %jit3A_219 = arith.constant 2147483647 : i32
    %broadcast_in_dim3A_220 = vector.broadcast %jit3A_219 : i32 to vector<1024x256xi32>
    %select_n3A_221 = arith.select %eq3A_218, %add3A_216, %broadcast_in_dim3A_220 : vector<1024x256xi1>, vector<1024x256xi32>
    %reduce_min3A_222 = arith.constant dense<2147483647> : vector<256xi32>
    %reduce_min3A_223 = vector.multi_reduction <minsi>, %select_n3A_221, %reduce_min3A_222 [0] : vector<1024x256xi32> to vector<256xi32>
    %broadcast_in_dim3A_224 = vector.shape_cast %reduce_min3A_223 : vector<256xi32> to vector<1x256xi32>
    %lt3A_225 = arith.cmpf olt, %broadcast_in_dim3A_212, %select_n3A_193 : vector<1x256xf32>
    %select_n3A_226 = arith.select %lt3A_225, %broadcast_in_dim3A_224, %select_n3A_192 : vector<1x256xi1>, vector<1x256xi32>
    %select_n3A_227 = arith.select %lt3A_225, %broadcast_in_dim3A_212, %select_n3A_193 : vector<1x256xi1>, vector<1x256xf32>
    %get3A_228 = arith.constant 7168 : index
    %get3A_229 = arith.constant 0 : index
    %get3A_230 = vector.load %arg3[%get3A_228, %get3A_229] : memref<8192x256xf32, #tpu.memory_space<vmem>>, vector<1024x256xf32>
    %dot_general3A_231 = arith.constant dense<0.000000e+00> : vector<1024x256xf32>
    %dot_general3A_232 = tpu.matmul %get3A_230, %get3A_1, %dot_general3A_231 {dimension_numbers = #tpu.dot_dimension_numbers<[1], [1], [0], [0], [0, 0, 1, 0], [], []>, transpose_lhs_hint = false} : vector<1024x256xf32>, vector<256x256xf32>, vector<1024x256xf32> -> vector<1024x256xf32>
    %mul3A_233 = arith.mulf %get3A_230, %get3A_230 : vector<1024x256xf32>
    %reduce_sum3A_234 = arith.constant dense<0.000000e+00> : vector<1024xf32>
    %reduce_sum3A_235 = vector.multi_reduction <add>, %mul3A_233, %reduce_sum3A_234 [1] : vector<1024x256xf32> to vector<1024xf32>
    %broadcast_in_dim3A_236 = vector.shape_cast %reduce_sum3A_235 : vector<1024xf32> to vector<1024x1xf32>
    %mul3A_237 = arith.constant 2.000000e+00 : f32
    %mul3A_238 = vector.broadcast %mul3A_237 : f32 to vector<1024x256xf32>
    %mul3A_239 = arith.mulf %mul3A_238, %dot_general3A_232 : vector<1024x256xf32>
    %sub3A_240 = vector.broadcast %get3A_4 : vector<1x256xf32> to vector<1024x256xf32>
    %sub3A_241 = arith.subf %sub3A_240, %mul3A_239 : vector<1024x256xf32>
    %add3A_242 = vector.broadcast %broadcast_in_dim3A_236 : vector<1024x1xf32> to vector<1024x256xf32>
    %add3A_243 = arith.addf %sub3A_241, %add3A_242 : vector<1024x256xf32>
    %reduce_min3A_244 = arith.constant dense<0x7F800000> : vector<256xf32>
    %reduce_min3A_245 = vector.multi_reduction <minimumf>, %add3A_243, %reduce_min3A_244 [0] : vector<1024x256xf32> to vector<256xf32>
    %broadcast_in_dim3A_246 = vector.shape_cast %reduce_min3A_245 : vector<256xf32> to vector<1x256xf32>
    %iota3A_247 = tpu.iota {dimensions = array<i32: 0>} : vector<1024x256xi32>
    %add3A_248 = arith.constant 7168 : i32
    %add3A_249 = vector.broadcast %add3A_248 : i32 to vector<1024x256xi32>
    %add3A_250 = arith.addi %iota3A_247, %add3A_249 : vector<1024x256xi32>
    %eq3A_251 = vector.broadcast %broadcast_in_dim3A_246 : vector<1x256xf32> to vector<1024x256xf32>
    %eq3A_252 = arith.cmpf oeq, %add3A_243, %eq3A_251 : vector<1024x256xf32>
    %jit3A_253 = arith.constant 2147483647 : i32
    %broadcast_in_dim3A_254 = vector.broadcast %jit3A_253 : i32 to vector<1024x256xi32>
    %select_n3A_255 = arith.select %eq3A_252, %add3A_250, %broadcast_in_dim3A_254 : vector<1024x256xi1>, vector<1024x256xi32>
    %reduce_min3A_256 = arith.constant dense<2147483647> : vector<256xi32>
    %reduce_min3A_257 = vector.multi_reduction <minsi>, %select_n3A_255, %reduce_min3A_256 [0] : vector<1024x256xi32> to vector<256xi32>
    %broadcast_in_dim3A_258 = vector.shape_cast %reduce_min3A_257 : vector<256xi32> to vector<1x256xi32>
    %lt3A_259 = arith.cmpf olt, %broadcast_in_dim3A_246, %select_n3A_227 : vector<1x256xf32>
    %select_n3A_260 = arith.select %lt3A_259, %broadcast_in_dim3A_258, %select_n3A_226 : vector<1x256xi1>, vector<1x256xi32>
    %select_n3A_261 = arith.select %lt3A_259, %broadcast_in_dim3A_246, %select_n3A_227 : vector<1x256xi1>, vector<1x256xf32>
    %swap3A = arith.constant 0 : index
    %swap3A_262 = arith.constant 0 : index
    %swap3A_263 = arith.constant 0 : index
    %swap3A_264 = vector.load %arg4[%swap3A, %swap3A_262, %swap3A_263] : memref<1x1x256xi32, #tpu.memory_space<vmem>>, vector<1x1x256xi32>
    %swap3A_265 = vector.shape_cast %swap3A_264 : vector<1x1x256xi32> to vector<1x256xi32>
    %swap3A_266 = vector.shape_cast %select_n3A_260 : vector<1x256xi32> to vector<1x1x256xi32>
    tpu.vector_store %arg4[%swap3A, %swap3A_262, %swap3A_263], %swap3A_266 {strides = array<i32>} : memref<1x1x256xi32, #tpu.memory_space<vmem>>, vector<1x1x256xi32>,
    %reduce_sum3A_267 = arith.constant dense<0.000000e+00> : vector<1xf32>
    %reduce_sum3A_268 = vector.multi_reduction <add>, %select_n3A_261, %reduce_sum3A_267 [1] : vector<1x256xf32> to vector<1xf32>
    %broadcast_in_dim3A_269 = vector.shape_cast %reduce_sum3A_268 : vector<1xf32> to vector<1x1xf32>
    %mul3A_270 = arith.constant 1.1920929E-7 : f32
    %mul3A_271 = vector.broadcast %mul3A_270 : f32 to vector<1x1xf32>
    %mul3A_272 = arith.mulf %broadcast_in_dim3A_269, %mul3A_271 : vector<1x1xf32>
    %eq3A_273 = arith.constant 0 : i32
    %eq3A_274 = arith.cmpi eq, %arg0, %eq3A_273 : i32
    %convert_element_type3A = arith.extui %eq3A_274 : i1 to i32
    %cond3A = arith.constant 0 : i32
    %cond3A_275 = arith.cmpi ne, %convert_element_type3A, %cond3A : i32
    scf.if %cond3A_275 {
      %swap3A_280 = arith.constant 0 : index
      %swap3A_281 = arith.constant 0 : index
      %swap3A_282 = vector.load %arg5[%swap3A_280, %swap3A_281] : memref<1x1xf32, #tpu.memory_space<vmem>>, vector<1x1xf32>
      tpu.vector_store %arg5[%swap3A_280, %swap3A_281], %mul3A_272 {strides = array<i32>} : memref<1x1xf32, #tpu.memory_space<vmem>>, vector<1x1xf32>,
    } else {
    }
    %gt3A = arith.constant 0 : i32
    %gt3A_276 = arith.cmpi sgt, %arg0, %gt3A : i32
    %convert_element_type3A_277 = arith.extui %gt3A_276 : i1 to i32
    %cond3A_278 = arith.constant 0 : i32
    %cond3A_279 = arith.cmpi ne, %convert_element_type3A_277, %cond3A_278 : i32
    scf.if %cond3A_279 {
      %get3A_280 = arith.constant 0 : index
      %get3A_281 = arith.constant 0 : index
      %get3A_282 = vector.load %arg5[%get3A_280, %get3A_281] : memref<1x1xf32, #tpu.memory_space<vmem>>, vector<1x1xf32>
      %add3A_283 = arith.addf %get3A_282, %mul3A_272 : vector<1x1xf32>
      %swap3A_284 = arith.constant 0 : index
      %swap3A_285 = arith.constant 0 : index
      %swap3A_286 = vector.load %arg5[%swap3A_284, %swap3A_285] : memref<1x1xf32, #tpu.memory_space<vmem>>, vector<1x1xf32>
      tpu.vector_store %arg5[%swap3A_284, %swap3A_285], %add3A_283 {strides = array<i32>} : memref<1x1xf32, #tpu.memory_space<vmem>>, vector<1x1xf32>,
    } else {
    }
    return
  }
  func.func @transform_0(%arg0: i32) -> (i32, i32) {
    %c0_i32 = arith.constant 0 : i32
    %c0_i32_0 = arith.constant 0 : i32
    return %arg0, %c0_i32 : i32, i32
  }
  func.func @transform_1(%arg0: i32) -> (i32, i32) {
    %c0_i32 = arith.constant 0 : i32
    %c0_i32_0 = arith.constant 0 : i32
    return %c0_i32, %arg0 : i32, i32
  }
  func.func @transform_2(%arg0: i32) -> (i32, i32) {
    %c0_i32 = arith.constant 0 : i32
    %c0_i32_0 = arith.constant 0 : i32
    %c0_i32_1 = arith.constant 0 : i32
    return %c0_i32, %c0_i32_0 : i32, i32
  }
  func.func @transform_3(%arg0: i32) -> (i32, i32, i32) {
    %c0_i32 = arith.constant 0 : i32
    %c0_i32_0 = arith.constant 0 : i32
    %c0_i32_1 = arith.constant 0 : i32
    return %arg0, %c0_i32, %c0_i32_0 : i32, i32, i32
  }
  func.func @transform_4(%arg0: i32) -> (i32, i32) {
    %c0_i32 = arith.constant 0 : i32
    %c0_i32_0 = arith.constant 0 : i32
    %c0_i32_1 = arith.constant 0 : i32
    return %c0_i32, %c0_i32_0 : i32, i32
  }
}

</mosaic_0001>

<sc_bundles>
// kernel: kernel.5.cloned.1.call-start
scs
__scs_entry_jumppad:
0x0: {  	(pc) =	sbr.rel $0x88, $3  }
0x1: {  	(tag) =	ssettag $0x0;
	lr =	simm.s32 $0x1  }
0x2: {  	[smem:$0x3F9F] =	sst lr;
	_ =	strace $0xD0000000  }
0x3: {  	_ = 	snop  }
0x4: {  	_ = 	snop  }
0x5: {  	_ = 	snop  }
0x6: {  	_ = 	snop  }
0x7: {  	_ = 	snop  }
__scs_overlays_trampoline_lowered:
0x8: {  	[smem:$0x3FAE] =	sst s0  }
0x9: {  	[smem:$0x3FAF] =	sst s1  }
0xa: {  	[smem:$0x3FB0] =	sst s2  }
0xb: {  	[smem:$0x3FB1] =	sst s3  }
0xc: {  	[smem:$0x3FB2] =	sst s4  }
0xd: {  	[smem:$0x3FB3] =	sst s5  }
0xe: {  	[smem:$0x3FB4] =	sst s6  }
0xf: {  	[smem:$0x3FB5] =	sst s7  }
0x10: {  	[smem:$0x3FB6] =	sst s8  }
0x11: {  	[smem:$0x3FB7] =	sst s9;
	s0 =	simm.s32 @!p0 $0x0  }
0x12: {  	s1 =	sld [smem:$0x3F9D];
	s0 =	simm.s32 @p0 $0x1  }
0x13: {  	[smem:$0x3FB8] =	sst s0;
	s0 =	simm.s32 @!p1 $0x0  }
0x14: {  	s2 =	sld [smem:$0x3F9C];
	s0 =	simm.s32 @p1 $0x1  }
0x15: {  	[smem:$0x3FB9] =	sst s0;
	s0 =	simm.s32 @!p2 $0x0  }
0x16: {  	s3 =	sld [smem:$0x3FDB];
	s0 =	simm.s32 @p2 $0x1  }
0x17: {  	s4 =	simm.s32 $0x1BF5;
	[smem:$0x3FBB] =	sst s0  }
0x18: {  	s0 =	sld [smem:$0x3F9E];
	_ =	swait.ge [sflag:s4], $0x0  }
0x19: {  	s7 =	sld [smem:$0x3F9F]  }
0x1a: {  	s8 =	sadd.s32 $0xFFFFE003, lr  }
0x1b: {  	s9 =	sadd.s32 $0xFFFFFEF7, lr;
	s5 =	simm.s32 $0xFFFFFFFF;
	p2 =	slt.u32 s8, $0xFFFFF086  }
0x1c: {  	p1 =	slt.u32 s9, $0xF7A;
	s5 =	simm.s32 @!p2 $0x0  }
0x1d: {  	s5 =	simm.s32 @p1 $0x1;
	p0 =	seq.s32 s7, s2  }
0x1e: {  	s7 =	smul.u32 @!p0 $0xF7A, s2;
	p2 =	seq.s32 @!p0 s5, $0x0  }
0x1f: {  	s9 =	smul.u32 $0xF7A, s1;
	s8 =	simm.s32 @!p0 $0x1BF5;
	p2 =	por !p2, p0  }
0x20: {  	[sflag:s8] =	ssyncset.s32 @!p0 $0xFFFFF086;
	s6 =	sadd.s32 @!p0 s3, s7;
	s7 =	simm.s32 @!p0 $0x108  }
0x21: {  	s3 =	sadd.s32 s3, s9;
	s6 =	sadd.s32 @!p0 $0x88, s6;
	s7 =	simm.s32 @p2 $0x1082  }
0x22: {  	[simem:s7], [sflag:s8] =	dma.local @!p0 [hbm:s6], $0xF7A  }
0x23: {  	s9 =	sor.u32 $0xD0000000, s2;
	s6 =	simm.s32 $0x108;
	_ =	swait.ge @!p0 [sflag:s8], $0x0  }
0x24: {  	s3 =	sadd.s32 $0x88, s3;
	s6 =	simm.s32 @!p1 $0x1082;
	[sflag:s4] =	ssyncset.s32 $0xFFFFF086  }
0x25: {  	[simem:s6], [sflag:s4] =	dma.local [hbm:s3], $0xF7A  }
0x26: {  	[smem:$0x3F9F] =	sst s1;
	(tag) =	ssettag s2;
	_ =	strace s9  }
0x27: {  	s1 =	sld [smem:$0x3FAF]  }
0x28: {  	s2 =	sld [smem:$0x3FB0]  }
0x29: {  	s4 =	sld [smem:$0x3FB2]  }
0x2a: {  	p0 =	seq.s32 s5, $0x0;
	s5 =	sld [smem:$0x3FB3]  }
0x2b: {  	s6 =	sld [smem:$0x3FB4]  }
0x2c: {  	s7 =	sld [smem:$0x3FB5]  }
0x2d: {  	s3 =	simm.s32 $0x108;
	s8 =	sld [smem:$0x3FB6]  }
0x2e: {  	s3 =	simm.s32 @!p0 $0x1082;
	s9 =	sld [smem:$0x3FB7]  }
0x2f: {  	lr =	sadd.s32 s0, s3;
	s0 =	sld [smem:$0x3FAE]  }
0x30: {  	s3 =	sld [smem:$0x3FB1]  }
0x31: {  	[smem:$0x3FBA] =	sst s10  }
0x32: {  	s10 =	sld [smem:$0x3FB8];
	_ =	sdelay $0x3  }
0x33: {  	p0 =	seq.s32 s10, $0x1;
	s10 =	sld [smem:$0x3FBA];
	_ =	sdelay $0x3  }
0x34: {  	[smem:$0x3FBA] =	sst s10  }
0x35: {  	s10 =	sld [smem:$0x3FB9];
	_ =	sdelay $0x3  }
0x36: {  	p1 =	seq.s32 s10, $0x1;
	s10 =	sld [smem:$0x3FBA];
	_ =	sdelay $0x3  }
0x37: {  	[smem:$0x3FBA] =	sst s10  }
0x38: {  	s10 =	sld [smem:$0x3FBB]  }
0x39: {  	_ = 	snop;
	(pc) =	sbr.ind lr, $3  }
0x3a: {  	_ = 	snop  }
0x3b: {  	_ = 	snop  }
0x3c: {  	p2 =	seq.s32 s10, $0x1;
	s10 =	sld [smem:$0x3FBA]  }
0x3d: {  	_ =	shalt  }
0x3e: {  	_ =	shalt  }
0x3f: {  	_ =	shalt  }
0x40: {  	_ =	shalt  }
0x41: {  	_ =	shalt  }
0x42: {  	_ =	shalt  }
0x43: {  	_ =	shalt  }
0x44: {  	_ =	shalt  }
0x45: {  	_ =	shalt  }
0x46: {  	_ =	shalt  }
0x47: {  	_ =	shalt  }
0x48: {  	_ =	shalt  }
0x49: {  	_ =	shalt  }
0x4a: {  	_ =	shalt  }
0x4b: {  	_ =	shalt  }
0x4c: {  	_ =	shalt  }
0x4d: {  	_ =	shalt  }
0x4e: {  	_ =	shalt  }
0x4f: {  	_ =	shalt  }
0x50: {  	_ =	shalt  }
0x51: {  	_ =	shalt  }
0x52: {  	_ =	shalt  }
0x53: {  	_ =	shalt  }
0x54: {  	_ =	shalt  }
0x55: {  	_ =	shalt  }
0x56: {  	_ =	shalt  }
0x57: {  	_ =	shalt  }
0x58: {  	_ =	shalt  }
0x59: {  	_ =	shalt  }
0x5a: {  	_ =	shalt  }
0x5b: {  	_ =	shalt  }
0x5c: {  	_ =	shalt  }
0x5d: {  	_ =	shalt  }
0x5e: {  	_ =	shalt  }
0x5f: {  	_ =	shalt  }
0x60: {  	_ =	shalt  }
0x61: {  	_ =	shalt  }
0x62: {  	_ =	shalt  }
0x63: {  	_ =	shalt  }
0x64: {  	_ =	shalt  }
0x65: {  	_ =	shalt  }
0x66: {  	_ =	shalt  }
0x67: {  	_ =	shalt  }
0x68: {  	_ =	shalt  }
0x69: {  	_ =	shalt  }
0x6a: {  	_ =	shalt  }
0x6b: {  	_ =	shalt  }
0x6c: {  	_ =	shalt  }
0x6d: {  	_ =	shalt  }
0x6e: {  	_ =	shalt  }
0x6f: {  	_ =	shalt  }
0x70: {  	_ =	shalt  }
0x71: {  	_ =	shalt  }
0x72: {  	_ =	shalt  }
0x73: {  	_ =	shalt  }
0x74: {  	_ =	shalt  }
0x75: {  	_ =	shalt  }
0x76: {  	_ =	shalt  }
0x77: {  	_ =	shalt  }
0x78: {  	_ =	shalt  }
0x79: {  	_ =	shalt  }
0x7a: {  	_ =	shalt  }
0x7b: {  	_ =	shalt  }
0x7c: {  	_ =	shalt  }
0x7d: {  	_ =	shalt  }
0x7e: {  	_ =	shalt  }
0x7f: {  	_ =	shalt  }
0x80: {  	_ =	shalt  }
0x81: {  	_ =	shalt  }
0x82: {  	_ =	shalt  }
0x83: {  	_ =	shalt  }
0x84: {  	_ =	shalt  }
0x85: {  	_ =	shalt  }
0x86: {  	_ =	shalt  }
0x87: {  	_ =	shalt  }
.Lfunc_end0:
.L_simem_size_0:
called_computation_lowered:
.L_overlay_start_0:
0x88: {  	s2 =	sld [smem:$0x3FD9]  }
0x89: {  	s3 =	sld [smem:$0x3FFE];
	_ =	sdelay $0x1  }
0x8a: {  	s1 =	srdreg.scid  }
0x8b: {  	s0 =	sand.u32 $0x1, s1  }
0x8c: {  	s15 =	sshll.u32 s0, $0xA;
	s2 =	sadd.s32 s3, s2  }
0x8d: {  	s2 =	sadd.s32 s2, s15  }
0x8e: {  	[smem:$0x3FC6] =	sst s2  }
0x8f: {  	_ = 	snop  }
0x90: {  	s2 =	sld [smem:$0x3FD0];
	_ =	sdelay $0x2  }
0x91: {  	s4 =	simm.s32 $0xA;
	s5 =	simm.s32 $0x10;
	s16 =	sld [smem:$0x3FC8]  }
0x92: {  	[smem:s5], [sflag:s4] =	dma.local [hbm:s2], $0x1  }
0x93: {  	_ =	swait.eq [sflag:s4], $0x1  }
0x94: {  	s17 =	sld [smem:$0x11];
	[sflag:s4] =	ssyncset.done $0x0  }
0x95: {  	s18 =	sld [smem:$0x12];
	[sflag:s4] =	ssyncadd.s32 $0xFFFFFFFF  }
0x96: {  	s19 =	sld [smem:$0x13];
	(tm) =	ssettm $0x1  }
0x97: {  	s6 =	sld [smem:$0x3FFB];
	_ =	sdelay $0x3  }
0x98: {  	_ =	strace s6  }
0x99: {  	s6 =	sld [smem:$0x3FFC];
	_ =	sdelay $0x3  }
0x9a: {  	_ =	strace s6  }
0x9b: {  	s6 =	sld [smem:$0x3FFD];
	_ =	sdelay $0x3  }
0x9c: {  	_ =	strace s6  }
0x9d: {  	_ =	strace $0x8FFFFFFF  }
0x9e: {  	s20 =	sld [smem:$0x3FDB];
	_ =	sdelay $0x1  }
0x9f: {  	s7 =	simm.s32 $_scs_section_size  }
0xa0: {  	s8 =	simm.s32 $_size__tile_overlayer_lowered;
	s9 =	simm.s32 $_tile_overlayer_lowered  }
0xa1: {  	s23 =	simm.s32 $0x1BFF;
	s22 =	sshll.u32 s9, $0x1;
	s6 =	sadd.s32 s7, s20  }
0xa2: {  	s10 =	simm.s32 $0x0;
	s21 =	sshll.u32 s8, $0x1;
	s8 =	sadd.s32 s22, s6  }
0xa3: {  	[timem:s10], [sflag:s23] =	dma.local [hbm:s8], s21  }
0xa4: {  	_ =	swait.ge [sflag:s23], s21  }
0xa5: {  	s7 =	ssub.s32 $0x0, s21;
	[sflag:s23] =	ssyncset.done $0x0  }
0xa6: {  	[sflag:s23] =	ssyncadd.s32 s7;
	_ =	sdelay $0x1  }
0xa7: {  	s24 =	simm.s32 $0x1B8B  }
0xa8: {  	_ =	swait.ge [sflag:s24], $0x1  }
0xa9: {  	[sflag:s24] =	ssyncset.done $0x0  }
0xaa: {  	s25 =	simm.s32 $0x1B8E;
	[sflag:s24] =	ssyncadd.s32 $0xFFFFFFFF  }
0xab: {  	s26 =	simm.s32 $execute0_lowered;
	[smem:$0x3FD2] =	sst s25  }
0xac: {  	s7 =	sshll.u32 s26, $0x1;
	_ =	strace $0x80000046;
	[dreg:$0x1] =	wrdreg $0xFFFFFFFF  }
0xad: {  	s28 =	simm.s32 $_size_execute0_lowered;
	s6 =	sadd.s32 s6, s7;
	[dreg:$0x0] =	wrdreg $0x0  }
0xae: {  	s7 =	sshll.u32 s28, $0x1;
	[dreg:$0x2] =	wrdreg s6  }
0xaf: {  	[dreg:$0x3] =	wrdreg s7  }
0xb0: {  	[dreg:$0x4] =	wrdreg $0xC0  }
0xb1: {  	_ =	task [dreg:s10], $0x5FFFF  }
0xb2: {  	[dreg:$0x1] =	wrdreg $0xFFFFFFFF  }
0xb3: {  	[dreg:$0x0] =	wrdreg $0x60  }
0xb4: {  	[dreg:$0x2] =	wrdreg s18  }
0xb5: {  	[dreg:$0x3] =	wrdreg s16  }
0xb6: {  	[dreg:$0x4] =	wrdreg s17  }
0xb7: {  	[dreg:$0x5] =	wrdreg s19  }
0xb8: {  	[dreg:$0x6] =	wrdreg $0x103800  }
0xb9: {  	[dreg:$0x7] =	wrdreg $0x9  }
0xba: {  	_ =	task.clear_ibuf [dreg:s10], $0x8FFFF;
	_ =	strace $0x90000046  }
0xbb: {  	s29 =	simm.s32 $0x9;
	_ =	strace $0x80000048  }
0xbc: {  	_ =	swait.ge [sflag:s29], $0x1  }
0xbd: {  	[sflag:s29] =	ssyncadd.s32 $0xFFFFFFFF  }
0xbe: {  	_ =	strace $0x90000048  }
0xbf: {  	_ =	sfence  }
0xc0: {  	s30 =	sld [smem:$0x0];
	_ =	sdelay $0x2  }
0xc1: {  	s31 =	sshll.u32 s1, $0xD;
	s1 =	sshrl.u32 s1, $0x2  }
0xc2: {  	s3 =	sand.u32 $0x4000, s31;
	s1 =	sadd.s32 s1, s30  }
0xc3: {  	s0 =	sor.u32 s3, s0;
	s1 =	sshll.u32 s1, $0x11  }
0xc4: {  	s0 =	sor.u32 s1, s0  }
0xc5: {  	s0 =	sadd.s32 $0x8F2B, s0  }
0xc6: {  	[sflag:s0] =	ssyncadd.remote.s32 $0x1  }
0xc7: {  	_ =	sfence.sel $0xFFFF  }
0xc8: {  	[dreg:$0x0] =	wrdreg $0xFFFFFFFF;
	(pc) =	sbr.abs _section_cstart, $3  }
0xc9: {  	[dreg:$0x1] =	wrdreg $0xFFFFFFFF  }
0xca: {  	_ =	task.clear_ibuf [dreg:s10], $0x2FFFF;
	_ =	strace $0x9FFFFFFF  }
0xcb: {  	(tm) =	ssettm $0x7FFFFFFF  }
tec
execute0_lowered:
.L_overlay_start_1:
0x0: {  	(tag) =	ssettag $0x1  }
0x1: {  	s4 =	rddreg [dreg:$0x0]  }
0x2: {  	s0 =	rddreg [dreg:$0x1]  }
0x3: {  	s5 =	rddreg [dreg:$0x2]  }
0x4: {  	s6 =	rddreg [dreg:$0x3]  }
0x5: {  	s2 =	rddreg [dreg:$0x4];
	s3 =	simm.s32 $0x0  }
0x6: {  	s13 =	simm.s32 $0x10180;
	[smem:$0x7FF] =	sst s3  }
0x7: {  	s14 =	simm.s32 $0x900;
	_ =	strace $0x80000047;
	[dreg:$0xa] =	wrdreg s13  }
0x8: {  	s15 =	simm.s32 $0x1100;
	[dreg:$0xb] =	wrdreg s14  }
0x9: {  	s16 =	simm.s32 $0x1900;
	[dreg:$0xc] =	wrdreg s15  }
0xa: {  	s17 =	simm.s32 $0x2100;
	[dreg:$0xd] =	wrdreg s16  }
0xb: {  	s1 =	srdreg.scid;
	s18 =	simm.s32 $0x2900;
	[dreg:$0xe] =	wrdreg s17  }
0xc: {  	s7 =	stileid.u32;
	s19 =	simm.s32 $0x3100;
	[dreg:$0xf] =	wrdreg s18  }
0xd: {  	s20 =	simm.s32 $0x3900;
	s21 =	simm.s32 $0x4100;
	[dreg:$0x10] =	wrdreg s19  }
0xe: {  	s22 =	simm.s32 $0x4900;
	s24 =	simm.s32 $0x5100;
	[dreg:$0x11] =	wrdreg s20  }
0xf: {  	s26 =	simm.s32 $0x5900;
	s28 =	simm.s32 $0x6100;
	[dreg:$0x12] =	wrdreg s21  }
0x10: {  	s29 =	simm.s32 $0x6900;
	s30 =	simm.s32 $0x7100;
	[dreg:$0x13] =	wrdreg s22  }
0x11: {  	s8 =	sand.u32 $0x1, s1;
	s9 =	sshll.u32 s7, $0x1;
	[dreg:$0x14] =	wrdreg s24  }
0x12: {  	s31 =	sshll.u32 s7, $0x9;
	p0 =	sne.s32 s7, $0x0;
	[dreg:$0x15] =	wrdreg s26  }
0x13: {  	s7 =	simm.s32 $0x1;
	s9 =	sor.u32 s8, s9;
	[dreg:$0x16] =	wrdreg s28  }
0x14: {  	s1 =	sadd.s32 s31, s2;
	s11 =	sshll.u32 s8, $0x4;
	[dreg:$0x17] =	wrdreg s29  }
0x15: {  	s23 =	ssub.s32 $0x2, s8;
	[dreg:$0x18] =	wrdreg s30;
	s31 =	simm.s32 $0x7900  }
0x16: {  	s8 =	simm.s32 $0x80;
	s13 =	simm.s32 $0x9900;
	s14 =	simm.s32 $0xA100  }
0x17: {  	s15 =	simm.s32 $0xA900;
	s16 =	simm.s32 $0xB100;
	s17 =	simm.s32 $0xB900  }
0x18: {  	s18 =	simm.s32 $0xC100;
	s19 =	simm.s32 $0xC900;
	s20 =	simm.s32 $0xD100  }
0x19: {  	s21 =	simm.s32 $0xD900;
	s22 =	simm.s32 $0xE100;
	s24 =	simm.s32 $0xF100  }
0x1a: {  	s10 =	sshll.u32 s9, $0x5;
	s9 =	sshll.u32 s9, $0xD;
	[dreg:$0x7] =	wrdreg s1  }
0x1b: {  	s12 =	sadd.s32 s6, s11;
	s25 =	sshrl.u32 s23, $0x1;
	s6 =	simm.s32 $0x100  }
0x1c: {  	[dreg:$0x19] =	wrdreg s31;
	s11 =	simm.s32 $0x8900;
	s4 =	sadd.s32 s4, s10  }
0x1d: {  	s10 =	sadd.s32 s5, s9;
	[dreg:$0x9] =	wrdreg s12;
	s5 =	ssub.s32 s23, s25  }
0x1e: {  	v0 =	vimm.f32 $1.000000000e+00;
	v4 =	vlaneseq.u32;
	s9 =	simm.s32 $0x10100;
	s12 =	simm.s32 $0x9100;
	[dreg:$0x6] =	wrdreg s4  }
0x1f: {  	v1 =	vimm.f32 $0.0e+00;
	vm0 =	vmmov $0xffff;
	v3 =	vshrl.u32 v4, $0x3;
	s23 =	simm.s32 $0xE900;
	s25 =	simm.s32 $0xF900;
	[dreg:$0x8] =	wrdreg s10  }
0x20: {  	v2 =	vand.u32 $0x7, v4;
	v4 =	vor.u32 $0x8, v4;
	v3 =	vmul.u32 $0x8, v3;
	s4 =	smax.u32 s5, $0x1;
	s5 =	simm.s32 $0x2;
	s10 =	simm.s32 $0x8100  }
.LBB2_1:
0x21: {  	s26 =	rddreg [dreg:$0x6]  }
0x22: {  	[tilespmem:s3], [sflag:$0x2] =	stream.linear.gather [hbm4b:s26+s3], $0x100, $0x38;
	[tilespmem:$0x10580] =	vst v63  }
0x23: {  	_ =	swait.ge [sflag:s5], $0x100  }
0x24: {  	[sflag:s5] =	ssyncset.done $0x0  }
0x25: {  	[sflag:s5] =	ssyncadd.s32 $0xFFFFFF00  }
0x26: {  	[tilespmem:$0x10100] =	vst v0  }
0x27: {  	[tilespmem:$0x10110] =	vst v0  }
0x28: {  	[tilespmem:$0x10120] =	vst v0  }
0x29: {  	[tilespmem:$0x10130] =	vst v0  }
0x2a: {  	[tilespmem:$0x10140] =	vst v0  }
0x2b: {  	[tilespmem:$0x10150] =	vst v0  }
0x2c: {  	[tilespmem:$0x10160] =	vst v0  }
0x2d: {  	[tilespmem:$0x10170] =	vst v0  }
0x2e: {  	[tilespmem:$0x10180] =	vst v1  }
0x2f: {  	[tilespmem:$0x10190] =	vst v1  }
0x30: {  	[tilespmem:$0x101A0] =	vst v1  }
0x31: {  	[tilespmem:$0x101B0] =	vst v1  }
0x32: {  	[tilespmem:$0x101C0] =	vst v1  }
0x33: {  	[tilespmem:$0x101D0] =	vst v1  }
0x34: {  	[tilespmem:$0x101E0] =	vst v1  }
0x35: {  	[tilespmem:$0x101F0] =	vst v1  }
0x36: {  	[tilespmem:$0x10200] =	vst v1  }
0x37: {  	[tilespmem:$0x10210] =	vst v1  }
0x38: {  	[tilespmem:$0x10220] =	vst v1  }
0x39: {  	[tilespmem:$0x10230] =	vst v1  }
0x3a: {  	[tilespmem:$0x10240] =	vst v1  }
0x3b: {  	[tilespmem:$0x10250] =	vst v1  }
0x3c: {  	[tilespmem:$0x10260] =	vst v1  }
0x3d: {  	[tilespmem:$0x10270] =	vst v1  }
0x3e: {  	[tilespmem:$0x10280] =	vst v1  }
0x3f: {  	[tilespmem:$0x10290] =	vst v1  }
0x40: {  	[tilespmem:$0x102A0] =	vst v1  }
0x41: {  	[tilespmem:$0x102B0] =	vst v1  }
0x42: {  	[tilespmem:$0x102C0] =	vst v1  }
0x43: {  	[tilespmem:$0x102D0] =	vst v1  }
0x44: {  	[tilespmem:$0x102E0] =	vst v1  }
0x45: {  	[tilespmem:$0x102F0] =	vst v1  }
0x46: {  	[tilespmem:$0x10300] =	vst v1  }
0x47: {  	[tilespmem:$0x10310] =	vst v1  }
0x48: {  	[tilespmem:$0x10320] =	vst v1  }
0x49: {  	[tilespmem:$0x10330] =	vst v1  }
0x4a: {  	[tilespmem:$0x10340] =	vst v1  }
0x4b: {  	[tilespmem:$0x10350] =	vst v1  }
0x4c: {  	s1 =	rddreg [dreg:$0x7];
	[tilespmem:$0x10360] =	vst v1  }
0x4d: {  	s28 =	rddreg [dreg:$0xa];
	[tilespmem:$0x10370] =	vst v1  }
0x4e: {  	[spmem:s1] =	stream.linear.scatter [tilespmem:s28], [sflag:$0x2], $0x200, $0x38;
	[tilespmem:$0x10580] =	vst v63  }
0x4f: {  	_ =	swait.ge [sflag:s5], $0x200  }
0x50: {  	[sflag:s5] =	ssyncset.done $0x0  }
0x51: {  	[sflag:s5] =	ssyncadd.s32 $0xFFFFFE00  }
0x52: {  	[bflag:$0x0] =	sbarrier.arrive $0xFFFF  }
0x53: {  	v5 =	vld [tilespmem:$0x0];
	_ =	sdelay $0x4  }
0x54: {  	v6 =	vshll.u32 v5, $0x1  }
0x55: {  	v5 =	vand.u32 $0x7, v5;
	v6 =	vand.u32 $0xFFFFFFF0, v6  }
0x56: {  	v5 =	vor.u32 v5, v6  }
0x57: {  	v6 =	vperm.xlane v5, v2;
	_ =	sdelay $0x1  }
0x58: {  	v5 =	vperm.xlane v5, v4;
	v6 =	vadd.s32 v3, v6;
	_ =	sdelay $0x1  }
0x59: {  	v5 =	vadd.s32 v3, v5;
	_ =	sdelay $0x2  }
0x5a: {  	[tilespmem:s6], [sflag:$0x1] =	stream.indirect_vreg.gather [hbm4b:s0+s3], $0x80, v6, vm0, $0xb8;
	[tilespmem:$0x10580] =	vst v63  }
0x5b: {  	s28 =	rddreg [dreg:$0xb]  }
0x5c: {  	[tilespmem:s28], [sflag:$0x1] =	stream.indirect_vreg.gather [hbm4b:s0+s3], $0x80, v5, vm0, $0xb8;
	[tilespmem:$0x10580] =	vst v63  }
0x5d: {  	v5 =	vld [tilespmem:$0x10];
	_ =	sdelay $0x4  }
0x5e: {  	v6 =	vshll.u32 v5, $0x1  }
0x5f: {  	v5 =	vand.u32 $0x7, v5;
	v6 =	vand.u32 $0xFFFFFFF0, v6  }
0x60: {  	v5 =	vor.u32 v5, v6  }
0x61: {  	v6 =	vperm.xlane v5, v2;
	_ =	sdelay $0x1  }
0x62: {  	v5 =	vperm.xlane v5, v4;
	v6 =	vadd.s32 v3, v6;
	_ =	sdelay $0x1  }
0x63: {  	v5 =	vadd.s32 v3, v5;
	_ =	sdelay $0x1  }
0x64: {  	s29 =	rddreg [dreg:$0xc]  }
0x65: {  	[tilespmem:s29], [sflag:$0x1] =	stream.indirect_vreg.gather [hbm4b:s0+s3], $0x80, v6, vm0, $0xb8;
	[tilespmem:$0x10580] =	vst v63  }
0x66: {  	s30 =	rddreg [dreg:$0xd]  }
0x67: {  	[tilespmem:s30], [sflag:$0x1] =	stream.indirect_vreg.gather [hbm4b:s0+s3], $0x80, v5, vm0, $0xb8;
	[tilespmem:$0x10580] =	vst v63  }
0x68: {  	v5 =	vld [tilespmem:$0x20];
	_ =	sdelay $0x4  }
0x69: {  	v6 =	vshll.u32 v5, $0x1  }
0x6a: {  	v5 =	vand.u32 $0x7, v5;
	v6 =	vand.u32 $0xFFFFFFF0, v6  }
0x6b: {  	v5 =	vor.u32 v5, v6  }
0x6c: {  	v6 =	vperm.xlane v5, v2;
	_ =	sdelay $0x1  }
0x6d: {  	v5 =	vperm.xlane v5, v4;
	v6 =	vadd.s32 v3, v6;
	_ =	sdelay $0x1  }
0x6e: {  	v5 =	vadd.s32 v3, v5;
	_ =	sdelay $0x1  }
0x6f: {  	s31 =	rddreg [dreg:$0xe]  }
0x70: {  	[tilespmem:s31], [sflag:$0x1] =	stream.indirect_vreg.gather [hbm4b:s0+s3], $0x80, v6, vm0, $0xb8;
	[tilespmem:$0x10580] =	vst v63  }
0x71: {  	s1 =	rddreg [dreg:$0xf]  }
0x72: {  	[tilespmem:s1], [sflag:$0x1] =	stream.indirect_vreg.gather [hbm4b:s0+s3], $0x80, v5, vm0, $0xb8;
	[tilespmem:$0x10580] =	vst v63  }
0x73: {  	v5 =	vld [tilespmem:$0x30];
	_ =	sdelay $0x4  }
0x74: {  	v6 =	vshll.u32 v5, $0x1  }
0x75: {  	v5 =	vand.u32 $0x7, v5;
	v6 =	vand.u32 $0xFFFFFFF0, v6  }
0x76: {  	v5 =	vor.u32 v5, v6  }
0x77: {  	v6 =	vperm.xlane v5, v2;
	_ =	sdelay $0x1  }
0x78: {  	v5 =	vperm.xlane v5, v4;
	v6 =	vadd.s32 v3, v6;
	_ =	sdelay $0x1  }
0x79: {  	v5 =	vadd.s32 v3, v5;
	_ =	sdelay $0x1  }
0x7a: {  	s29 =	rddreg [dreg:$0x10]  }
0x7b: {  	[tilespmem:s29], [sflag:$0x1] =	stream.indirect_vreg.gather [hbm4b:s0+s3], $0x80, v6, vm0, $0xb8;
	[tilespmem:$0x10580] =	vst v63  }
0x7c: {  	s30 =	rddreg [dreg:$0x11]  }
0x7d: {  	[tilespmem:s30], [sflag:$0x1] =	stream.indirect_vreg.gather [hbm4b:s0+s3], $0x80, v5, vm0, $0xb8;
	[tilespmem:$0x10580] =	vst v63  }
0x7e: {  	v5 =	vld [tilespmem:$0x40];
	_ =	sdelay $0x4  }
0x7f: {  	v6 =	vshll.u32 v5, $0x1  }
0x80: {  	v5 =	vand.u32 $0x7, v5;
	v6 =	vand.u32 $0xFFFFFFF0, v6  }
0x81: {  	v5 =	vor.u32 v5, v6  }
0x82: {  	v6 =	vperm.xlane v5, v2;
	_ =	sdelay $0x1  }
0x83: {  	v5 =	vperm.xlane v5, v4;
	v6 =	vadd.s32 v3, v6;
	_ =	sdelay $0x1  }
0x84: {  	v5 =	vadd.s32 v3, v5;
	_ =	sdelay $0x1  }
0x85: {  	s31 =	rddreg [dreg:$0x12]  }
0x86: {  	[tilespmem:s31], [sflag:$0x1] =	stream.indirect_vreg.gather [hbm4b:s0+s3], $0x80, v6, vm0, $0xb8;
	[tilespmem:$0x10580] =	vst v63  }
0x87: {  	s1 =	rddreg [dreg:$0x13]  }
0x88: {  	[tilespmem:s1], [sflag:$0x1] =	stream.indirect_vreg.gather [hbm4b:s0+s3], $0x80, v5, vm0, $0xb8;
	[tilespmem:$0x10580] =	vst v63  }
0x89: {  	v5 =	vld [tilespmem:$0x50];
	_ =	sdelay $0x4  }
0x8a: {  	v6 =	vshll.u32 v5, $0x1  }
0x8b: {  	v5 =	vand.u32 $0x7, v5;
	v6 =	vand.u32 $0xFFFFFFF0, v6  }
0x8c: {  	v5 =	vor.u32 v5, v6  }
0x8d: {  	v6 =	vperm.xlane v5, v2;
	_ =	sdelay $0x1  }
0x8e: {  	v5 =	vperm.xlane v5, v4;
	v6 =	vadd.s32 v3, v6;
	_ =	sdelay $0x1  }
0x8f: {  	v5 =	vadd.s32 v3, v5;
	_ =	sdelay $0x1  }
0x90: {  	s29 =	rddreg [dreg:$0x14]  }
0x91: {  	[tilespmem:s29], [sflag:$0x1] =	stream.indirect_vreg.gather [hbm4b:s0+s3], $0x80, v6, vm0, $0xb8;
	[tilespmem:$0x10580] =	vst v63  }
0x92: {  	s30 =	rddreg [dreg:$0x15]  }
0x93: {  	[tilespmem:s30], [sflag:$0x1] =	stream.indirect_vreg.gather [hbm4b:s0+s3], $0x80, v5, vm0, $0xb8;
	[tilespmem:$0x10580] =	vst v63  }
0x94: {  	v5 =	vld [tilespmem:$0x60];
	_ =	sdelay $0x4  }
0x95: {  	v6 =	vshll.u32 v5, $0x1  }
0x96: {  	v5 =	vand.u32 $0x7, v5;
	v6 =	vand.u32 $0xFFFFFFF0, v6  }
0x97: {  	v5 =	vor.u32 v5, v6  }
0x98: {  	v6 =	vperm.xlane v5, v2;
	_ =	sdelay $0x1  }
0x99: {  	v5 =	vperm.xlane v5, v4;
	v6 =	vadd.s32 v3, v6;
	_ =	sdelay $0x1  }
0x9a: {  	v5 =	vadd.s32 v3, v5;
	_ =	sdelay $0x1  }
0x9b: {  	s31 =	rddreg [dreg:$0x16]  }
0x9c: {  	[tilespmem:s31], [sflag:$0x1] =	stream.indirect_vreg.gather [hbm4b:s0+s3], $0x80, v6, vm0, $0xb8;
	[tilespmem:$0x10580] =	vst v63  }
0x9d: {  	s1 =	rddreg [dreg:$0x17]  }
0x9e: {  	[tilespmem:s1], [sflag:$0x1] =	stream.indirect_vreg.gather [hbm4b:s0+s3], $0x80, v5, vm0, $0xb8;
	[tilespmem:$0x10580] =	vst v63  }
0x9f: {  	v5 =	vld [tilespmem:$0x70];
	_ =	sdelay $0x4  }
0xa0: {  	v6 =	vshll.u32 v5, $0x1  }
0xa1: {  	v5 =	vand.u32 $0x7, v5;
	v6 =	vand.u32 $0xFFFFFFF0, v6  }
0xa2: {  	v5 =	vor.u32 v5, v6  }
0xa3: {  	v6 =	vperm.xlane v5, v2;
	_ =	sdelay $0x1  }
0xa4: {  	v5 =	vperm.xlane v5, v4;
	v6 =	vadd.s32 v3, v6;
	_ =	sdelay $0x1  }
0xa5: {  	v5 =	vadd.s32 v3, v5;
	_ =	sdelay $0x1  }
0xa6: {  	s29 =	rddreg [dreg:$0x18]  }
0xa7: {  	[tilespmem:s29], [sflag:$0x1] =	stream.indirect_vreg.gather [hbm4b:s0+s3], $0x80, v6, vm0, $0xb8;
	[tilespmem:$0x10580] =	vst v63  }
0xa8: {  	s30 =	rddreg [dreg:$0x19]  }
0xa9: {  	[tilespmem:s30], [sflag:$0x1] =	stream.indirect_vreg.gather [hbm4b:s0+s3], $0x80, v5, vm0, $0xb8;
	[tilespmem:$0x10580] =	vst v63  }
0xaa: {  	_ =	swait.ge [sflag:s7], $0x8000  }
0xab: {  	[sflag:s7] =	ssyncset.done $0x0  }
0xac: {  	[sflag:s7] =	ssyncadd.s32 $0xFFFF8000  }
0xad: {  	[spmem:s2] =	stream.indirect.scatter.add.f32 [tilespmem:s9], [sflag:$0x2], $0x1, s3, s8, $0xb8;
	[tilespmem:$0x10580] =	vst v63  }
0xae: {  	_ =	swait.ge [sflag:s5], $0x80  }
0xaf: {  	[sflag:s5] =	ssyncset.done $0x0  }
0xb0: {  	[sflag:s5] =	ssyncadd.s32 $0xFFFFFF80  }
0xb1: {  	v5 =	vld [tilespmem:$0x80];
	_ =	sdelay $0x4  }
0xb2: {  	v6 =	vshll.u32 v5, $0x1  }
0xb3: {  	v5 =	vand.u32 $0x7, v5;
	v6 =	vand.u32 $0xFFFFFFF0, v6  }
0xb4: {  	v5 =	vor.u32 v5, v6  }
0xb5: {  	v6 =	vperm.xlane v5, v2;
	_ =	sdelay $0x1  }
0xb6: {  	v5 =	vperm.xlane v5, v4;
	v6 =	vadd.s32 v3, v6;
	_ =	sdelay $0x1  }
0xb7: {  	v5 =	vadd.s32 v3, v5;
	_ =	sdelay $0x2  }
0xb8: {  	[tilespmem:s10], [sflag:$0x1] =	stream.indirect_vreg.gather [hbm4b:s0+s3], $0x80, v6, vm0, $0xb8;
	[tilespmem:$0x10580] =	vst v63  }
0xb9: {  	_ = 	snop  }
0xba: {  	[tilespmem:s11], [sflag:$0x1] =	stream.indirect_vreg.gather [hbm4b:s0+s3], $0x80, v5, vm0, $0xb8;
	[tilespmem:$0x10580] =	vst v63  }
0xbb: {  	v5 =	vld [tilespmem:$0x90];
	_ =	sdelay $0x4  }
0xbc: {  	v6 =	vshll.u32 v5, $0x1  }
0xbd: {  	v5 =	vand.u32 $0x7, v5;
	v6 =	vand.u32 $0xFFFFFFF0, v6  }
0xbe: {  	v5 =	vor.u32 v5, v6  }
0xbf: {  	v6 =	vperm.xlane v5, v2;
	_ =	sdelay $0x1  }
0xc0: {  	v5 =	vperm.xlane v5, v4;
	v6 =	vadd.s32 v3, v6;
	_ =	sdelay $0x1  }
0xc1: {  	v5 =	vadd.s32 v3, v5;
	_ =	sdelay $0x2  }
0xc2: {  	[tilespmem:s12], [sflag:$0x1] =	stream.indirect_vreg.gather [hbm4b:s0+s3], $0x80, v6, vm0, $0xb8;
	[tilespmem:$0x10580] =	vst v63  }
0xc3: {  	_ = 	snop  }
0xc4: {  	[tilespmem:s13], [sflag:$0x1] =	stream.indirect_vreg.gather [hbm4b:s0+s3], $0x80, v5, vm0, $0xb8;
	[tilespmem:$0x10580] =	vst v63  }
0xc5: {  	v5 =	vld [tilespmem:$0xA0];
	_ =	sdelay $0x4  }
0xc6: {  	v6 =	vshll.u32 v5, $0x1  }
0xc7: {  	v5 =	vand.u32 $0x7, v5;
	v6 =	vand.u32 $0xFFFFFFF0, v6  }
0xc8: {  	v5 =	vor.u32 v5, v6  }
0xc9: {  	v6 =	vperm.xlane v5, v2;
	_ =	sdelay $0x1  }
0xca: {  	v5 =	vperm.xlane v5, v4;
	v6 =	vadd.s32 v3, v6;
	_ =	sdelay $0x1  }
0xcb: {  	v5 =	vadd.s32 v3, v5;
	_ =	sdelay $0x2  }
0xcc: {  	[tilespmem:s14], [sflag:$0x1] =	stream.indirect_vreg.gather [hbm4b:s0+s3], $0x80, v6, vm0, $0xb8;
	[tilespmem:$0x10580] =	vst v63  }
0xcd: {  	_ = 	snop  }
0xce: {  	[tilespmem:s15], [sflag:$0x1] =	stream.indirect_vreg.gather [hbm4b:s0+s3], $0x80, v5, vm0, $0xb8;
	[tilespmem:$0x10580] =	vst v63  }
0xcf: {  	v5 =	vld [tilespmem:$0xB0];
	_ =	sdelay $0x4  }
0xd0: {  	v6 =	vshll.u32 v5, $0x1  }
0xd1: {  	v5 =	vand.u32 $0x7, v5;
	v6 =	vand.u32 $0xFFFFFFF0, v6  }
0xd2: {  	v5 =	vor.u32 v5, v6  }
0xd3: {  	v6 =	vperm.xlane v5, v2;
	_ =	sdelay $0x1  }
0xd4: {  	v5 =	vperm.xlane v5, v4;
	v6 =	vadd.s32 v3, v6;
	_ =	sdelay $0x1  }
0xd5: {  	v5 =	vadd.s32 v3, v5;
	_ =	sdelay $0x2  }
0xd6: {  	[tilespmem:s16], [sflag:$0x1] =	stream.indirect_vreg.gather [hbm4b:s0+s3], $0x80, v6, vm0, $0xb8;
	[tilespmem:$0x10580] =	vst v63  }
0xd7: {  	_ = 	snop  }
0xd8: {  	[tilespmem:s17], [sflag:$0x1] =	stream.indirect_vreg.gather [hbm4b:s0+s3], $0x80, v5, vm0, $0xb8;
	[tilespmem:$0x10580] =	vst v63  }
0xd9: {  	v5 =	vld [tilespmem:$0xC0];
	_ =	sdelay $0x4  }
0xda: {  	v6 =	vshll.u32 v5, $0x1  }
0xdb: {  	v5 =	vand.u32 $0x7, v5;
	v6 =	vand.u32 $0xFFFFFFF0, v6  }
0xdc: {  	v5 =	vor.u32 v5, v6  }
0xdd: {  	v6 =	vperm.xlane v5, v2;
	_ =	sdelay $0x1  }
0xde: {  	v5 =	vperm.xlane v5, v4;
	v6 =	vadd.s32 v3, v6;
	_ =	sdelay $0x1  }
0xdf: {  	v5 =	vadd.s32 v3, v5;
	_ =	sdelay $0x2  }
0xe0: {  	[tilespmem:s18], [sflag:$0x1] =	stream.indirect_vreg.gather [hbm4b:s0+s3], $0x80, v6, vm0, $0xb8;
	[tilespmem:$0x10580] =	vst v63  }
0xe1: {  	_ = 	snop  }
0xe2: {  	[tilespmem:s19], [sflag:$0x1] =	stream.indirect_vreg.gather [hbm4b:s0+s3], $0x80, v5, vm0, $0xb8;
	[tilespmem:$0x10580] =	vst v63  }
0xe3: {  	v5 =	vld [tilespmem:$0xD0];
	_ =	sdelay $0x4  }
0xe4: {  	v6 =	vshll.u32 v5, $0x1  }
0xe5: {  	v5 =	vand.u32 $0x7, v5;
	v6 =	vand.u32 $0xFFFFFFF0, v6  }
0xe6: {  	v5 =	vor.u32 v5, v6  }
0xe7: {  	v6 =	vperm.xlane v5, v2;
	_ =	sdelay $0x1  }
0xe8: {  	v5 =	vperm.xlane v5, v4;
	v6 =	vadd.s32 v3, v6;
	_ =	sdelay $0x1  }
0xe9: {  	v5 =	vadd.s32 v3, v5;
	_ =	sdelay $0x2  }
0xea: {  	[tilespmem:s20], [sflag:$0x1] =	stream.indirect_vreg.gather [hbm4b:s0+s3], $0x80, v6, vm0, $0xb8;
	[tilespmem:$0x10580] =	vst v63  }
0xeb: {  	_ = 	snop  }
0xec: {  	[tilespmem:s21], [sflag:$0x1] =	stream.indirect_vreg.gather [hbm4b:s0+s3], $0x80, v5, vm0, $0xb8;
	[tilespmem:$0x10580] =	vst v63  }
0xed: {  	v5 =	vld [tilespmem:$0xE0];
	_ =	sdelay $0x4  }
0xee: {  	v6 =	vshll.u32 v5, $0x1  }
0xef: {  	v5 =	vand.u32 $0x7, v5;
	v6 =	vand.u32 $0xFFFFFFF0, v6  }
0xf0: {  	v5 =	vor.u32 v5, v6  }
0xf1: {  	v6 =	vperm.xlane v5, v2;
	_ =	sdelay $0x1  }
0xf2: {  	v5 =	vperm.xlane v5, v4;
	v6 =	vadd.s32 v3, v6;
	_ =	sdelay $0x1  }
0xf3: {  	v5 =	vadd.s32 v3, v5;
	_ =	sdelay $0x2  }
0xf4: {  	[tilespmem:s22], [sflag:$0x1] =	stream.indirect_vreg.gather [hbm4b:s0+s3], $0x80, v6, vm0, $0xb8;
	[tilespmem:$0x10580] =	vst v63  }
0xf5: {  	_ = 	snop  }
0xf6: {  	[tilespmem:s23], [sflag:$0x1] =	stream.indirect_vreg.gather [hbm4b:s0+s3], $0x80, v5, vm0, $0xb8;
	[tilespmem:$0x10580] =	vst v63  }
0xf7: {  	v5 =	vld [tilespmem:$0xF0];
	_ =	sdelay $0x4  }
0xf8: {  	v6 =	vshll.u32 v5, $0x1  }
0xf9: {  	v5 =	vand.u32 $0x7, v5;
	v6 =	vand.u32 $0xFFFFFFF0, v6  }
0xfa: {  	v5 =	vor.u32 v5, v6  }
0xfb: {  	v6 =	vperm.xlane v5, v2;
	_ =	sdelay $0x1  }
0xfc: {  	v5 =	vperm.xlane v5, v4;
	v6 =	vadd.s32 v3, v6;
	_ =	sdelay $0x1  }
0xfd: {  	v5 =	vadd.s32 v3, v5;
	_ =	sdelay $0x2  }
0xfe: {  	[tilespmem:s24], [sflag:$0x1] =	stream.indirect_vreg.gather [hbm4b:s0+s3], $0x80, v6, vm0, $0xb8;
	[tilespmem:$0x10580] =	vst v63  }
0xff: {  	_ = 	snop  }
0x100: {  	[tilespmem:s25], [sflag:$0x1] =	stream.indirect_vreg.gather [hbm4b:s0+s3], $0x80, v5, vm0, $0xb8;
	[tilespmem:$0x10580] =	vst v63  }
0x101: {  	_ =	swait.ge [sflag:s7], $0x8000  }
0x102: {  	[sflag:s7] =	ssyncset.done $0x0  }
0x103: {  	[sflag:s7] =	ssyncadd.s32 $0xFFFF8000  }
0x104: {  	[spmem:s2] =	stream.indirect.scatter.add.f32 [tilespmem:s9], [sflag:$0x2], $0x1, s8, s8, $0xb8;
	[tilespmem:$0x10580] =	vst v63  }
0x105: {  	_ =	swait.ge [sflag:s5], $0x80  }
0x106: {  	[sflag:s5] =	ssyncset.done $0x0  }
0x107: {  	s31 =	rddreg [dreg:$0x8];
	[sflag:s5] =	ssyncadd.s32 $0xFFFFFF80  }
0x108: {  	[hbm4b:s31+s3] =	stream.linear.scatter [tilespmem:s6], [sflag:$0x2], $0x10000, $0x38;
	[tilespmem:$0x10580] =	vst v63  }
0x109: {  	_ =	swait.ge [sflag:s5], $0x10000  }
0x10a: {  	s4 =	sadd.s32 $0xFFFFFFFF, s4;
	[sflag:s5] =	ssyncset.done $0x0  }
0x10b: {  	p1 =	sne.s32 s4, $0x0;
	s28 =	sshrl.u32 @!p0 s2, $0x3;
	[sflag:s5] =	ssyncadd.s32 $0xFFFF0000  }
0x10c: {  	s1 =	simm.s32 @!p0 $0x1C02;
	s29 =	simm.s32 @!p0 $0x1;
	[bflag:$0x0] =	sbarrier.arrive $0xFFFF  }
0x10d: {  	s30 =	simm.s32 @!p0 $0x20;
	s31 =	simm.s32 @!p0 $0x10;
	s26 =	rddreg [dreg:$0x9]  }
0x10e: {  	[hbm:s26@s30], [sflag:s1] =	dma.strided @!p0 [spmem:s28@s31], $0x400, s29, $0x10   }
.Ltmp0:
0x10f: {  	_ = 	snop;
	(pc) =	sbr.rel @p1 .LBB2_1-.Ltmp0, $4  }
0x110: {  	s1 =	simm.s32 @!p0 $0x2  }
0x111: {  	_ =	swait.ge @!p0 [sflag:s1], $0x400  }
0x112: {  	[sflag:s1] =	ssyncset.done @!p0 $0x0  }
0x113: {  	[sflag:s1] =	ssyncadd.s32 @!p0 $0xFFFFFC00  }
0x114: {  	_ =	sfence.sel $0x180000  }
0x115: {  	[bflag:$0x0] =	sbarrier.arrive $0xFFFF  }
0x116: {  	_ =	strace $0x90000047  }
0x117: {  	[bflag:$0x2] =	sbarrier.arrive $0xFFFF  }
0x118: {  	s0 =	rddreg [dreg:$0x5]  }
0x119: {  	s0 =	sadd.s32 @!p0 $0x100000, s0  }
0x11a: {  	[sflag:s0] =	ssyncadd.tile.s32 @!p0 $0x1;
	_ =	shalt  }
.Lfunc_end2:
_tile_overlayer_lowered:
.L_overlay_start_2:
0x11b: {  	(tag) =	ssettag $0x2  }
0x11c: {  	s0 =	rddreg [dreg:$0x0];
	s2 =	stileid.u32  }
0x11d: {  	s1 =	rddreg [dreg:$0x1];
	p0 =	sne.s32 s2, $0x0  }
0x11e: {  	s3 =	rddreg [dreg:$0x2];
	[bflag:$0x3] =	sbarrier.arrive $0xFFFF;
	s2 =	simm.s32 @!p0 $0x1C02  }
0x11f: {  	[timem:s3], [sflag:s2] =	dma.local @!p0 [hbm:s0], s1  }
0x120: {  	s0 =	simm.s32 @!p0 $0x2  }
0x121: {  	_ =	swait.ge @!p0 [sflag:s0], s1  }
0x122: {  	s1 =	ssub.s32 @!p0 $0x0, s1;
	[sflag:s0] =	ssyncset.done @!p0 $0x0  }
0x123: {  	[sflag:s0] =	ssyncadd.s32 @!p0 s1  }
0x124: {  	[bflag:$0x3] =	sbarrier.arrive $0xFFFF  }
0x125: {  	_ =	shalt  }

</sc_bundles>
